<compile_context>
chip_gen: v7x
topology: tpu7x:2x2x1
jax: 0.10.2.dev20260603
libtpu: 0.0.44.dev20260713+nightly
codegen_flags: <defaults>
</compile_context>

<pallas_src>
import functools

import jax
import jax.numpy as jnp
from jax import lax
from jax.experimental import pallas as pl
from jax.experimental.pallas import tpu as pltpu
from jax.experimental.pallas import tpu_sc as plsc

N_DET = 5000
N_GT = 1000
N_THR = 10
N_REC = 101

_B_PAD = 5120
_TAB_D = 128
_NC, _NS = 2, 16
_NW = _NC * _NS
_BPW = _B_PAD // _NW
_BD = 1000
_NB = N_DET // _BD


def _sc_gather(tab, idx):
    mesh = plsc.VectorSubcoreMesh(core_axis_name="c", subcore_axis_name="s")

    @functools.partial(
        pl.kernel, mesh=mesh,
        out_type=jax.ShapeDtypeStruct((_B_PAD, _TAB_D), jnp.float32),
        scratch_types=[
            pltpu.VMEM((_BPW,), jnp.int32),
            pltpu.VMEM((_BPW, _TAB_D), jnp.float32),
            pltpu.SemaphoreType.DMA,
        ],
    )
    def gk(tab_hbm, idx_hbm, out_hbm, idx_v, rows_v, sem):
        wid = lax.axis_index("s") * _NC + lax.axis_index("c")
        base = wid * _BPW
        pltpu.sync_copy(idx_hbm.at[pl.ds(base, _BPW)], idx_v)
        pltpu.async_copy(tab_hbm.at[idx_v], rows_v, sem).wait()
        pltpu.sync_copy(rows_v, out_hbm.at[pl.ds(base, _BPW)])

    return gk(tab, idx)


def _tc_body(det_ref, gt_ref, thr_ref, rthr_ref, iou_ref, map_ref,
             used_s, tp_s, ap_s):
    pid = pl.program_id(0)

    d = det_ref[...]
    g = gt_ref[...]
    p = None
    vd = None
    vg = None
    for a in range(3):
        dlo = jnp.min(d[:, 8 * a:8 * a + 8], axis=1, keepdims=True)
        dhi = jnp.max(d[:, 8 * a:8 * a + 8], axis=1, keepdims=True)
        glo = jnp.min(g[8 * a:8 * a + 8, :], axis=0, keepdims=True)
        ghi = jnp.max(g[8 * a:8 * a + 8, :], axis=0, keepdims=True)
        e = jnp.maximum(jnp.minimum(dhi, ghi) - jnp.maximum(dlo, glo), 0.0)
        p = e if p is None else p * e
        vd = (dhi - dlo) if vd is None else vd * (dhi - dlo)
        vg = (ghi - glo) if vg is None else vg * (ghi - glo)
    union = jnp.maximum(vd + vg - p, 1e-9)
    iou = p / union
    same = d[:, 24:25] == g[24:25, :]
    iou_ref[...] = jnp.where(same, iou, 0.0)

    @pl.when(pid == 0)
    def _init():
        used_s[...] = jnp.zeros((N_THR, N_GT), jnp.float32)
        tp_s[...] = jnp.zeros((N_THR, 128), jnp.float32)
        ap_s[...] = jnp.zeros((N_THR, 128), jnp.float32)

    thr = thr_ref[...]
    rthr = rthr_ref[...]
    iota = lax.broadcasted_iota(jnp.int32, (N_THR, N_GT), 1)

    def chunk_step(c, carry):
        used, tp, ap = carry
        blk = iou_ref[pl.ds(c * 8, 8), :]
        for j in range(8):
            cand = jnp.where(used > 0.0, -1.0,
                             jnp.broadcast_to(blk[j:j + 1, :], (N_THR, N_GT)))
            m = jnp.max(cand, axis=1, keepdims=True)
            ok = m >= thr
            first = jnp.min(jnp.where(cand == m, iota, N_GT),
                            axis=1, keepdims=True)
            used = jnp.where((iota == first) & ok, 1.0, used)
            tp = tp + jnp.where(ok, 1.0, 0.0)
            inv = 1.0 / (pid * _BD + c * 8 + j + 1).astype(jnp.float32)
            ap = jnp.maximum(ap,
                             jnp.where(tp * (1.0 / N_GT) >= rthr, tp * inv, 0.0))
        return used, tp, ap

    carry0 = (used_s[...], tp_s[:, 0:1], ap_s[...])
    used, tp, ap = lax.fori_loop(0, _BD // 8, chunk_step, carry0)
    used_s[...] = used
    tp_s[...] = jnp.broadcast_to(tp, (N_THR, 128))
    ap_s[...] = ap

    @pl.when(pid == _NB - 1)
    def _fin():
        aps = jnp.sum(ap, axis=1, keepdims=True) * (1.0 / N_REC)
        map_ref[...] = jnp.sum(aps).reshape(1, 1) * (1.0 / N_THR)


def _tc_call(det, gtT, thr, rthr):
    return pl.pallas_call(
        _tc_body,
        grid=(_NB,),
        in_specs=[
            pl.BlockSpec((_BD, 32), lambda i: (i, 0)),
            pl.BlockSpec((32, N_GT), lambda i: (0, 0)),
            pl.BlockSpec((N_THR, 1), lambda i: (0, 0)),
            pl.BlockSpec((1, 128), lambda i: (0, 0)),
        ],
        out_specs=[
            pl.BlockSpec((_BD, N_GT), lambda i: (i, 0)),
            pl.BlockSpec((1, 1), lambda i: (0, 0)),
        ],
        out_shape=[
            jax.ShapeDtypeStruct((N_DET, N_GT), jnp.float32),
            jax.ShapeDtypeStruct((1, 1), jnp.float32),
        ],
        scratch_shapes=[
            pltpu.VMEM((N_THR, N_GT), jnp.float32),
            pltpu.VMEM((N_THR, 128), jnp.float32),
            pltpu.VMEM((N_THR, 128), jnp.float32),
        ],
        compiler_params=pltpu.CompilerParams(
            dimension_semantics=("arbitrary",)),
    )(det, gtT, thr, rthr)


def kernel(pred_boxes, pred_scores, pred_labels, gt_boxes, gt_labels):
    order = jnp.argsort(-pred_scores).astype(jnp.int32)
    idx = jnp.concatenate(
        [order, jnp.zeros((_B_PAD - N_DET,), jnp.int32)])

    def pack(boxes, labels, n):
        c = jnp.transpose(boxes, (0, 2, 1)).reshape(n, 24)
        return jnp.concatenate(
            [c, labels.astype(jnp.float32)[:, None],
             jnp.zeros((n, _TAB_D - 25), jnp.float32)], axis=1)

    tab = pack(pred_boxes, pred_labels, N_DET)
    det = _sc_gather(tab, idx)[:N_DET, :32]
    gtT = pack(gt_boxes, gt_labels, N_GT)[:, :32].T

    thr = jnp.linspace(0.05, 0.5, N_THR).astype(jnp.float32).reshape(N_THR, 1)
    rthr = jnp.concatenate(
        [jnp.linspace(0.0, 1.0, N_REC).astype(jnp.float32),
         jnp.full((128 - N_REC,), 2.0, jnp.float32)]).reshape(1, 128)

    ious, mapv = _tc_call(det, gtT, thr, rthr)
    return mapv[0, 0], ious

# --- scband reference (transcript-rebuilt; emitter-appended) ---
"""Pipeline reference for scband-atek-obb3-metrics-80401787781442 (READ-ONLY COPY).

The authoritative reference and input builder live on the scoring server;
editing this copy changes nothing except your own understanding.
"""

import jax, jax.numpy as jnp
import numpy as np

N_DET = 5000
N_GT = 1000
N_CLASSES = 20
IOU_THRS = jnp.linspace(0.05, 0.5, 10)
REC_THRS = jnp.linspace(0.0, 1.0, 101)


def setup_inputs(seed: int = 0):
    key = jax.random.key(seed)
    k1, k2, k3, k4, k5 = jax.random.split(key, 5)
    pred_boxes = jax.random.uniform(k1, (N_DET, 8, 3), dtype=jnp.float32) * 10.0
    pred_scores = jax.random.uniform(k2, (N_DET,), dtype=jnp.float32)
    pred_labels = jax.random.randint(k3, (N_DET,), 0, N_CLASSES)
    gt_boxes = jax.random.uniform(k4, (N_GT, 8, 3), dtype=jnp.float32) * 10.0
    gt_labels = jax.random.randint(k5, (N_GT,), 0, N_CLASSES)
    return {"pred_boxes": pred_boxes, "pred_scores": pred_scores, "pred_labels": pred_labels, "gt_boxes": gt_boxes, "gt_labels": gt_labels}


def _aabb(corners):
    lo = jnp.min(corners, axis=1)
    hi = jnp.max(corners, axis=1)
    return lo, hi


def _iou3d(det, gt):
    # Axis-aligned 3D IoU from 8-corner boxes (box3d_overlap_wrapper for the
    # canonical axis-aligned corner layout documented in update()).
    dlo, dhi = _aabb(det)
    glo, ghi = _aabb(gt)
    ilo = jnp.maximum(dlo[:, None, :], glo[None, :, :])
    ihi = jnp.minimum(dhi[:, None, :], ghi[None, :, :])
    inter = jnp.prod(jnp.clip(ihi - ilo, 0.0, None), axis=-1)
    vd = jnp.prod(dhi - dlo, axis=-1)
    vg = jnp.prod(ghi - glo, axis=-1)
    union = vd[:, None] + vg[None, :] - inter
    return inter / jnp.maximum(union, 1e-9)


def reference(pred_boxes, pred_scores, pred_labels, gt_boxes, gt_labels):
    # 1) sort detections by descending score (as in _compute_iou / _evaluate_image)
    order = jnp.argsort(-pred_scores)
    det = pred_boxes[order]
    det_lab = pred_labels[order]
    # 2) pairwise class-masked 3D IoU
    ious = _iou3d(det, gt_boxes)
    same = det_lab[:, None] == gt_labels[None, :]
    ious = jnp.where(same, ious, 0.0)
    n_gt = gt_boxes.shape[0]

    # 3) greedy best-gt matching per IoU threshold (MeanAveragePrecision._find_best_gt_match)
    def greedy(thr):
        def step(gt_used, iou_row):
            cand = jnp.where(gt_used, -1.0, iou_row)
            best = jnp.argmax(cand)
            ok = cand[best] >= thr
            gt_used = gt_used.at[best].set(gt_used[best] | ok)
            return gt_used, ok
        _, matched = jax.lax.scan(step, jnp.zeros((n_gt,), dtype=bool), ious)
        return matched

    matched = jax.vmap(greedy)(IOU_THRS)  # [T, N_det]
    tp = jnp.cumsum(matched.astype(jnp.float32), axis=1)
    fp = jnp.cumsum((~matched).astype(jnp.float32), axis=1)
    precision = tp / jnp.maximum(tp + fp, 1e-9)
    recall = tp / jnp.maximum(float(n_gt), 1.0)

    # 4) 101-point interpolated AP per IoU threshold, mean -> mAP
    def ap_one(prec, rec):
        def at_r(r):
            return jnp.max(jnp.where(rec >= r, prec, 0.0))
        return jnp.mean(jax.vmap(at_r)(REC_THRS))

    aps = jax.vmap(ap_one)(precision, recall)
    map_val = jnp.mean(aps)
    return map_val, ious

if __name__ == "__main__":
    import jax
    _d = setup_inputs()
    print(jax.jit(kernel)(*tuple(_d.values())))

</pallas_src>

<mosaic_0001>
#map = affine_map<(d0, d1) -> (0, 0)>
#map1 = affine_map<(d0, d1) -> (0)>
module attributes {stable_mosaic.version = 14 : i64} {
  func.func @gk(%arg0: i32, %arg1: i32, %arg2: memref<5000x128xf32, #tpu.memory_space<hbm>>, %arg3: memref<5120xi32, #tpu.memory_space<hbm>>, %arg4: memref<5120x128xf32, #tpu.memory_space<hbm>>, %arg5: memref<160xi32, #tpu.memory_space<vmem>>, %arg6: memref<160x128xf32, #tpu.memory_space<vmem>>, %arg7: memref<!tpu.dma_semaphore, #tpu.memory_space<semaphore_mem>>) attributes {dimension_semantics = [#tpu.dimension_semantics<core_parallel>, #tpu.dimension_semantics<subcore_parallel>], iteration_bounds = array<i64: 2, 16>, scalar_prefetch = 0 : i64, scratch_operands = 3 : i64, tpu.core_type = #tpu.core_type<sc_vector_subcore>, window_params = [{transform_indices = #map}, {transform_indices = #map1}, {transform_indices = #map}]} {
    %mul3A = arith.constant 2 : i32
    %mul3A_0 = arith.muli %arg1, %mul3A : i32
    %add3A = arith.addi %mul3A_0, %arg0 : i32
    %mul3A_1 = arith.constant 160 : i32
    %mul3A_2 = arith.muli %add3A, %mul3A_1 : i32
    "tpu.region"() ({
      %run_scoped3A = tpu.sem_alloc : memref<!tpu.dma_semaphore, #tpu.memory_space<semaphore_mem>>
      %dma_start3A_7 = tpu.memref_slice %arg3[%mul3A_2] : memref<5120xi32, #tpu.memory_space<hbm>> -> memref<160xi32, #tpu.memory_space<hbm>>
      %dma_start3A_8 = tpu.memref_slice %arg3[%mul3A_2] : memref<5120xi32, #tpu.memory_space<hbm>> -> memref<160xi32, #tpu.memory_space<hbm>>
      tpu.enqueue_dma source(%dma_start3A_8 : memref<160xi32, #tpu.memory_space<hbm>>) target(%arg5 : memref<160xi32, #tpu.memory_space<vmem>>) target_semaphore(%run_scoped3A : memref<!tpu.dma_semaphore, #tpu.memory_space<semaphore_mem>>)
      %dma_wait3A_9 = tpu.memref_slice %arg3[%mul3A_2] : memref<5120xi32, #tpu.memory_space<hbm>> -> memref<160xi32, #tpu.memory_space<hbm>>
      %dma_wait3A_10 = tpu.memref_slice %arg3[%mul3A_2] : memref<5120xi32, #tpu.memory_space<hbm>> -> memref<160xi32, #tpu.memory_space<hbm>>
      tpu.wait_dma2 semaphore(%run_scoped3A : memref<!tpu.dma_semaphore, #tpu.memory_space<semaphore_mem>>) src(%dma_wait3A_10 : memref<160xi32, #tpu.memory_space<hbm>>) dst(%arg5 : memref<160xi32, #tpu.memory_space<vmem>>)
      tpu.yield
    }) : () -> ()
    %dma_start3A = arith.constant 0 : i32
    %dma_start3A_3 = arith.constant 0 : i32
    %dma_start3A_4 = tpu.memref_slice %arg2[%dma_start3A, %dma_start3A_3] : memref<5000x128xf32, #tpu.memory_space<hbm>> -> memref<5000x128xf32, #tpu.memory_space<hbm>>
    tpu.enqueue_indirect_dma source(%dma_start3A_4 : memref<5000x128xf32, #tpu.memory_space<hbm>>) target(%arg6 : memref<160x128xf32, #tpu.memory_space<vmem>>) offsets(%arg5 : memref<160xi32, #tpu.memory_space<vmem>>) semaphore(%arg7 : memref<!tpu.dma_semaphore, #tpu.memory_space<semaphore_mem>>)
    %dma_wait3A = arith.constant 0 : i32
    %dma_wait3A_5 = arith.constant 0 : i32
    %dma_wait3A_6 = tpu.memref_slice %arg2[%dma_wait3A, %dma_wait3A_5] : memref<5000x128xf32, #tpu.memory_space<hbm>> -> memref<5000x128xf32, #tpu.memory_space<hbm>>
    tpu.wait_indirect_dma semaphore(%arg7 : memref<!tpu.dma_semaphore, #tpu.memory_space<semaphore_mem>>) src(%dma_wait3A_6 : memref<5000x128xf32, #tpu.memory_space<hbm>>) dst(%arg6 : memref<160x128xf32, #tpu.memory_space<vmem>>)
    "tpu.region"() ({
      %run_scoped3A = tpu.sem_alloc : memref<!tpu.dma_semaphore, #tpu.memory_space<semaphore_mem>>
      %dma_start3A_7 = arith.constant 0 : i32
      %dma_start3A_8 = tpu.memref_slice %arg4[%mul3A_2, %dma_start3A_7] : memref<5120x128xf32, #tpu.memory_space<hbm>> -> memref<160x128xf32, #tpu.memory_space<hbm>>
      %dma_start3A_9 = arith.constant 0 : i32
      %dma_start3A_10 = tpu.memref_slice %arg4[%mul3A_2, %dma_start3A_9] : memref<5120x128xf32, #tpu.memory_space<hbm>> -> memref<160x128xf32, #tpu.memory_space<hbm>>
      tpu.enqueue_dma source(%arg6 : memref<160x128xf32, #tpu.memory_space<vmem>>) target(%dma_start3A_10 : memref<160x128xf32, #tpu.memory_space<hbm>>) target_semaphore(%run_scoped3A : memref<!tpu.dma_semaphore, #tpu.memory_space<semaphore_mem>>)
      %dma_wait3A_11 = arith.constant 0 : i32
      %dma_wait3A_12 = tpu.memref_slice %arg4[%mul3A_2, %dma_wait3A_11] : memref<5120x128xf32, #tpu.memory_space<hbm>> -> memref<160x128xf32, #tpu.memory_space<hbm>>
      %dma_wait3A_13 = arith.constant 0 : i32
      %dma_wait3A_14 = tpu.memref_slice %arg4[%mul3A_2, %dma_wait3A_13] : memref<5120x128xf32, #tpu.memory_space<hbm>> -> memref<160x128xf32, #tpu.memory_space<hbm>>
      tpu.wait_dma2 semaphore(%run_scoped3A : memref<!tpu.dma_semaphore, #tpu.memory_space<semaphore_mem>>) src(%arg6 : memref<160x128xf32, #tpu.memory_space<vmem>>) dst(%dma_wait3A_14 : memref<160x128xf32, #tpu.memory_space<hbm>>)
      tpu.yield
    }) : () -> ()
    return
  }
}

module attributes {stable_mosaic.version = 14 : i64} {
  func.func @_tc_body(%arg0: i32, %arg1: memref<1000x32xf32, #tpu.memory_space<vmem>>, %arg2: memref<32x1000xf32, #tpu.memory_space<vmem>>, %arg3: memref<10x1xf32, #tpu.memory_space<vmem>>, %arg4: memref<1x128xf32, #tpu.memory_space<vmem>>, %arg5: memref<1000x1000xf32, #tpu.memory_space<vmem>>, %arg6: memref<1x1xf32, #tpu.memory_space<vmem>>, %arg7: memref<10x1000xf32, #tpu.memory_space<vmem>>, %arg8: memref<10x128xf32, #tpu.memory_space<vmem>>, %arg9: memref<10x128xf32, #tpu.memory_space<vmem>>) attributes {dimension_semantics = [#tpu.dimension_semantics<arbitrary>], iteration_bounds = array<i64: 5>, scalar_prefetch = 0 : i64, scratch_operands = 3 : i64, tpu.core_type = #tpu.core_type<tc>, window_params = [{transform_indices = @transform_0, window_bounds = array<i64: 1000, 32>}, {pipeline_mode = #tpu.pipeline_mode<synchronous>, transform_indices = @transform_1, window_bounds = array<i64: 32, 1000>}, {pipeline_mode = #tpu.pipeline_mode<synchronous>, transform_indices = @transform_2, window_bounds = array<i64: 10, 1>}, {pipeline_mode = #tpu.pipeline_mode<synchronous>, transform_indices = @transform_3, window_bounds = array<i64: 1, 128>}, {transform_indices = @transform_4, window_bounds = array<i64: 1000, 1000>}, {pipeline_mode = #tpu.pipeline_mode<synchronous>, transform_indices = @transform_5, window_bounds = array<i64: 1, 1>}]} {
    %get3A = arith.constant 0 : index
    %get3A_0 = arith.constant 0 : index
    %get3A_1 = vector.load %arg1[%get3A, %get3A_0] : memref<1000x32xf32, #tpu.memory_space<vmem>>, vector<1000x32xf32>
    %get3A_2 = arith.constant 0 : index
    %get3A_3 = arith.constant 0 : index
    %get3A_4 = vector.load %arg2[%get3A_2, %get3A_3] : memref<32x1000xf32, #tpu.memory_space<vmem>>, vector<32x1000xf32>
    %slice3A = vector.extract_strided_slice %get3A_1 {offsets = [0, 0], sizes = [1000, 8], strides = [1, 1]} : vector<1000x32xf32> to vector<1000x8xf32>
    %reduce_min3A = arith.constant dense<0x7F800000> : vector<1000xf32>
    %reduce_min3A_5 = vector.multi_reduction <minimumf>, %slice3A, %reduce_min3A [1] : vector<1000x8xf32> to vector<1000xf32>
    %broadcast_in_dim3A = vector.shape_cast %reduce_min3A_5 : vector<1000xf32> to vector<1000x1xf32>
    %slice3A_6 = vector.extract_strided_slice %get3A_1 {offsets = [0, 0], sizes = [1000, 8], strides = [1, 1]} : vector<1000x32xf32> to vector<1000x8xf32>
    %reduce_max3A = arith.constant dense<0xFF800000> : vector<1000xf32>
    %reduce_max3A_7 = vector.multi_reduction <maximumf>, %slice3A_6, %reduce_max3A [1] : vector<1000x8xf32> to vector<1000xf32>
    %broadcast_in_dim3A_8 = vector.shape_cast %reduce_max3A_7 : vector<1000xf32> to vector<1000x1xf32>
    %slice3A_9 = vector.extract_strided_slice %get3A_4 {offsets = [0, 0], sizes = [8, 1000], strides = [1, 1]} : vector<32x1000xf32> to vector<8x1000xf32>
    %reduce_min3A_10 = arith.constant dense<0x7F800000> : vector<1000xf32>
    %reduce_min3A_11 = vector.multi_reduction <minimumf>, %slice3A_9, %reduce_min3A_10 [0] : vector<8x1000xf32> to vector<1000xf32>
    %broadcast_in_dim3A_12 = vector.shape_cast %reduce_min3A_11 : vector<1000xf32> to vector<1x1000xf32>
    %slice3A_13 = vector.extract_strided_slice %get3A_4 {offsets = [0, 0], sizes = [8, 1000], strides = [1, 1]} : vector<32x1000xf32> to vector<8x1000xf32>
    %reduce_max3A_14 = arith.constant dense<0xFF800000> : vector<1000xf32>
    %reduce_max3A_15 = vector.multi_reduction <maximumf>, %slice3A_13, %reduce_max3A_14 [0] : vector<8x1000xf32> to vector<1000xf32>
    %broadcast_in_dim3A_16 = vector.shape_cast %reduce_max3A_15 : vector<1000xf32> to vector<1x1000xf32>
    %min3A = vector.broadcast %broadcast_in_dim3A_8 : vector<1000x1xf32> to vector<1000x1000xf32>
    %min3A_17 = vector.broadcast %broadcast_in_dim3A_16 : vector<1x1000xf32> to vector<1000x1000xf32>
    %min3A_18 = arith.minimumf %min3A, %min3A_17 : vector<1000x1000xf32>
    %max3A = vector.broadcast %broadcast_in_dim3A : vector<1000x1xf32> to vector<1000x1000xf32>
    %max3A_19 = vector.broadcast %broadcast_in_dim3A_12 : vector<1x1000xf32> to vector<1000x1000xf32>
    %max3A_20 = arith.maximumf %max3A, %max3A_19 : vector<1000x1000xf32>
    %sub3A = arith.subf %min3A_18, %max3A_20 : vector<1000x1000xf32>
    %max3A_21 = arith.constant 0.000000e+00 : f32
    %max3A_22 = vector.broadcast %max3A_21 : f32 to vector<1000x1000xf32>
    %max3A_23 = arith.maximumf %sub3A, %max3A_22 : vector<1000x1000xf32>
    %sub3A_24 = arith.subf %broadcast_in_dim3A_8, %broadcast_in_dim3A : vector<1000x1xf32>
    %sub3A_25 = arith.subf %broadcast_in_dim3A_16, %broadcast_in_dim3A_12 : vector<1x1000xf32>
    %slice3A_26 = vector.extract_strided_slice %get3A_1 {offsets = [0, 8], sizes = [1000, 8], strides = [1, 1]} : vector<1000x32xf32> to vector<1000x8xf32>
    %reduce_min3A_27 = arith.constant dense<0x7F800000> : vector<1000xf32>
    %reduce_min3A_28 = vector.multi_reduction <minimumf>, %slice3A_26, %reduce_min3A_27 [1] : vector<1000x8xf32> to vector<1000xf32>
    %broadcast_in_dim3A_29 = vector.shape_cast %reduce_min3A_28 : vector<1000xf32> to vector<1000x1xf32>
    %slice3A_30 = vector.extract_strided_slice %get3A_1 {offsets = [0, 8], sizes = [1000, 8], strides = [1, 1]} : vector<1000x32xf32> to vector<1000x8xf32>
    %reduce_max3A_31 = arith.constant dense<0xFF800000> : vector<1000xf32>
    %reduce_max3A_32 = vector.multi_reduction <maximumf>, %slice3A_30, %reduce_max3A_31 [1] : vector<1000x8xf32> to vector<1000xf32>
    %broadcast_in_dim3A_33 = vector.shape_cast %reduce_max3A_32 : vector<1000xf32> to vector<1000x1xf32>
    %slice3A_34 = vector.extract_strided_slice %get3A_4 {offsets = [8, 0], sizes = [8, 1000], strides = [1, 1]} : vector<32x1000xf32> to vector<8x1000xf32>
    %reduce_min3A_35 = arith.constant dense<0x7F800000> : vector<1000xf32>
    %reduce_min3A_36 = vector.multi_reduction <minimumf>, %slice3A_34, %reduce_min3A_35 [0] : vector<8x1000xf32> to vector<1000xf32>
    %broadcast_in_dim3A_37 = vector.shape_cast %reduce_min3A_36 : vector<1000xf32> to vector<1x1000xf32>
    %slice3A_38 = vector.extract_strided_slice %get3A_4 {offsets = [8, 0], sizes = [8, 1000], strides = [1, 1]} : vector<32x1000xf32> to vector<8x1000xf32>
    %reduce_max3A_39 = arith.constant dense<0xFF800000> : vector<1000xf32>
    %reduce_max3A_40 = vector.multi_reduction <maximumf>, %slice3A_38, %reduce_max3A_39 [0] : vector<8x1000xf32> to vector<1000xf32>
    %broadcast_in_dim3A_41 = vector.shape_cast %reduce_max3A_40 : vector<1000xf32> to vector<1x1000xf32>
    %min3A_42 = vector.broadcast %broadcast_in_dim3A_33 : vector<1000x1xf32> to vector<1000x1000xf32>
    %min3A_43 = vector.broadcast %broadcast_in_dim3A_41 : vector<1x1000xf32> to vector<1000x1000xf32>
    %min3A_44 = arith.minimumf %min3A_42, %min3A_43 : vector<1000x1000xf32>
    %max3A_45 = vector.broadcast %broadcast_in_dim3A_29 : vector<1000x1xf32> to vector<1000x1000xf32>
    %max3A_46 = vector.broadcast %broadcast_in_dim3A_37 : vector<1x1000xf32> to vector<1000x1000xf32>
    %max3A_47 = arith.maximumf %max3A_45, %max3A_46 : vector<1000x1000xf32>
    %sub3A_48 = arith.subf %min3A_44, %max3A_47 : vector<1000x1000xf32>
    %max3A_49 = arith.constant 0.000000e+00 : f32
    %max3A_50 = vector.broadcast %max3A_49 : f32 to vector<1000x1000xf32>
    %max3A_51 = arith.maximumf %sub3A_48, %max3A_50 : vector<1000x1000xf32>
    %mul3A = arith.mulf %max3A_23, %max3A_51 : vector<1000x1000xf32>
    %sub3A_52 = arith.subf %broadcast_in_dim3A_33, %broadcast_in_dim3A_29 : vector<1000x1xf32>
    %mul3A_53 = arith.mulf %sub3A_24, %sub3A_52 : vector<1000x1xf32>
    %sub3A_54 = arith.subf %broadcast_in_dim3A_41, %broadcast_in_dim3A_37 : vector<1x1000xf32>
    %mul3A_55 = arith.mulf %sub3A_25, %sub3A_54 : vector<1x1000xf32>
    %slice3A_56 = vector.extract_strided_slice %get3A_1 {offsets = [0, 16], sizes = [1000, 8], strides = [1, 1]} : vector<1000x32xf32> to vector<1000x8xf32>
    %reduce_min3A_57 = arith.constant dense<0x7F800000> : vector<1000xf32>
    %reduce_min3A_58 = vector.multi_reduction <minimumf>, %slice3A_56, %reduce_min3A_57 [1] : vector<1000x8xf32> to vector<1000xf32>
    %broadcast_in_dim3A_59 = vector.shape_cast %reduce_min3A_58 : vector<1000xf32> to vector<1000x1xf32>
    %slice3A_60 = vector.extract_strided_slice %get3A_1 {offsets = [0, 16], sizes = [1000, 8], strides = [1, 1]} : vector<1000x32xf32> to vector<1000x8xf32>
    %reduce_max3A_61 = arith.constant dense<0xFF800000> : vector<1000xf32>
    %reduce_max3A_62 = vector.multi_reduction <maximumf>, %slice3A_60, %reduce_max3A_61 [1] : vector<1000x8xf32> to vector<1000xf32>
    %broadcast_in_dim3A_63 = vector.shape_cast %reduce_max3A_62 : vector<1000xf32> to vector<1000x1xf32>
    %slice3A_64 = vector.extract_strided_slice %get3A_4 {offsets = [16, 0], sizes = [8, 1000], strides = [1, 1]} : vector<32x1000xf32> to vector<8x1000xf32>
    %reduce_min3A_65 = arith.constant dense<0x7F800000> : vector<1000xf32>
    %reduce_min3A_66 = vector.multi_reduction <minimumf>, %slice3A_64, %reduce_min3A_65 [0] : vector<8x1000xf32> to vector<1000xf32>
    %broadcast_in_dim3A_67 = vector.shape_cast %reduce_min3A_66 : vector<1000xf32> to vector<1x1000xf32>
    %slice3A_68 = vector.extract_strided_slice %get3A_4 {offsets = [16, 0], sizes = [8, 1000], strides = [1, 1]} : vector<32x1000xf32> to vector<8x1000xf32>
    %reduce_max3A_69 = arith.constant dense<0xFF800000> : vector<1000xf32>
    %reduce_max3A_70 = vector.multi_reduction <maximumf>, %slice3A_68, %reduce_max3A_69 [0] : vector<8x1000xf32> to vector<1000xf32>
    %broadcast_in_dim3A_71 = vector.shape_cast %reduce_max3A_70 : vector<1000xf32> to vector<1x1000xf32>
    %min3A_72 = vector.broadcast %broadcast_in_dim3A_63 : vector<1000x1xf32> to vector<1000x1000xf32>
    %min3A_73 = vector.broadcast %broadcast_in_dim3A_71 : vector<1x1000xf32> to vector<1000x1000xf32>
    %min3A_74 = arith.minimumf %min3A_72, %min3A_73 : vector<1000x1000xf32>
    %max3A_75 = vector.broadcast %broadcast_in_dim3A_59 : vector<1000x1xf32> to vector<1000x1000xf32>
    %max3A_76 = vector.broadcast %broadcast_in_dim3A_67 : vector<1x1000xf32> to vector<1000x1000xf32>
    %max3A_77 = arith.maximumf %max3A_75, %max3A_76 : vector<1000x1000xf32>
    %sub3A_78 = arith.subf %min3A_74, %max3A_77 : vector<1000x1000xf32>
    %max3A_79 = arith.constant 0.000000e+00 : f32
    %max3A_80 = vector.broadcast %max3A_79 : f32 to vector<1000x1000xf32>
    %max3A_81 = arith.maximumf %sub3A_78, %max3A_80 : vector<1000x1000xf32>
    %mul3A_82 = arith.mulf %mul3A, %max3A_81 : vector<1000x1000xf32>
    %sub3A_83 = arith.subf %broadcast_in_dim3A_63, %broadcast_in_dim3A_59 : vector<1000x1xf32>
    %mul3A_84 = arith.mulf %mul3A_53, %sub3A_83 : vector<1000x1xf32>
    %sub3A_85 = arith.subf %broadcast_in_dim3A_71, %broadcast_in_dim3A_67 : vector<1x1000xf32>
    %mul3A_86 = arith.mulf %mul3A_55, %sub3A_85 : vector<1x1000xf32>
    %add3A = vector.broadcast %mul3A_84 : vector<1000x1xf32> to vector<1000x1000xf32>
    %add3A_87 = vector.broadcast %mul3A_86 : vector<1x1000xf32> to vector<1000x1000xf32>
    %add3A_88 = arith.addf %add3A, %add3A_87 : vector<1000x1000xf32>
    %sub3A_89 = arith.subf %add3A_88, %mul3A_82 : vector<1000x1000xf32>
    %max3A_90 = arith.constant 9.99999971E-10 : f32
    %max3A_91 = vector.broadcast %max3A_90 : f32 to vector<1000x1000xf32>
    %max3A_92 = arith.maximumf %sub3A_89, %max3A_91 : vector<1000x1000xf32>
    %div3A = arith.divf %mul3A_82, %max3A_92 : vector<1000x1000xf32>
    %slice3A_93 = vector.extract_strided_slice %get3A_1 {offsets = [0, 24], sizes = [1000, 1], strides = [1, 1]} : vector<1000x32xf32> to vector<1000x1xf32>
    %slice3A_94 = vector.extract_strided_slice %get3A_4 {offsets = [24, 0], sizes = [1, 1000], strides = [1, 1]} : vector<32x1000xf32> to vector<1x1000xf32>
    %eq3A = vector.broadcast %slice3A_93 : vector<1000x1xf32> to vector<1000x1000xf32>
    %eq3A_95 = vector.broadcast %slice3A_94 : vector<1x1000xf32> to vector<1000x1000xf32>
    %eq3A_96 = arith.cmpf oeq, %eq3A, %eq3A_95 : vector<1000x1000xf32>
    %jit3A = arith.constant 0.000000e+00 : f32
    %broadcast_in_dim3A_97 = vector.broadcast %jit3A : f32 to vector<1000x1000xf32>
    %select_n3A = arith.select %eq3A_96, %div3A, %broadcast_in_dim3A_97 : vector<1000x1000xi1>, vector<1000x1000xf32>
    %swap3A = arith.constant 0 : index
    %swap3A_98 = arith.constant 0 : index
    %swap3A_99 = vector.load %arg5[%swap3A, %swap3A_98] : memref<1000x1000xf32, #tpu.memory_space<vmem>>, vector<1000x1000xf32>
    tpu.vector_store %arg5[%swap3A, %swap3A_98], %select_n3A {strides = array<i32>} : memref<1000x1000xf32, #tpu.memory_space<vmem>>, vector<1000x1000xf32>,
    %eq3A_100 = arith.constant 0 : i32
    %eq3A_101 = arith.cmpi eq, %arg0, %eq3A_100 : i32
    %convert_element_type3A = arith.extui %eq3A_101 : i1 to i32
    %cond3A = arith.constant 0 : i32
    %cond3A_102 = arith.cmpi ne, %convert_element_type3A, %cond3A : i32
    scf.if %cond3A_102 {
      %broadcast_in_dim3A_139 = arith.constant 0.000000e+00 : f32
      %broadcast_in_dim3A_140 = vector.broadcast %broadcast_in_dim3A_139 : f32 to vector<10x1000xf32>
      %swap3A_141 = arith.constant 0 : index
      %swap3A_142 = arith.constant 0 : index
      %swap3A_143 = vector.load %arg7[%swap3A_141, %swap3A_142] : memref<10x1000xf32, #tpu.memory_space<vmem>>, vector<10x1000xf32>
      tpu.vector_store %arg7[%swap3A_141, %swap3A_142], %broadcast_in_dim3A_140 {strides = array<i32>} : memref<10x1000xf32, #tpu.memory_space<vmem>>, vector<10x1000xf32>,
      %broadcast_in_dim3A_144 = arith.constant 0.000000e+00 : f32
      %broadcast_in_dim3A_145 = vector.broadcast %broadcast_in_dim3A_144 : f32 to vector<10x128xf32>
      %swap3A_146 = arith.constant 0 : index
      %swap3A_147 = arith.constant 0 : index
      %swap3A_148 = vector.load %arg8[%swap3A_146, %swap3A_147] : memref<10x128xf32, #tpu.memory_space<vmem>>, vector<10x128xf32>
      tpu.vector_store %arg8[%swap3A_146, %swap3A_147], %broadcast_in_dim3A_145 {strides = array<i32>} : memref<10x128xf32, #tpu.memory_space<vmem>>, vector<10x128xf32>,
      %broadcast_in_dim3A_149 = arith.constant 0.000000e+00 : f32
      %broadcast_in_dim3A_150 = vector.broadcast %broadcast_in_dim3A_149 : f32 to vector<10x128xf32>
      %swap3A_151 = arith.constant 0 : index
      %swap3A_152 = arith.constant 0 : index
      %swap3A_153 = vector.load %arg9[%swap3A_151, %swap3A_152] : memref<10x128xf32, #tpu.memory_space<vmem>>, vector<10x128xf32>
      tpu.vector_store %arg9[%swap3A_151, %swap3A_152], %broadcast_in_dim3A_150 {strides = array<i32>} : memref<10x128xf32, #tpu.memory_space<vmem>>, vector<10x128xf32>,
    } else {
    }
    %get3A_103 = arith.constant 0 : index
    %get3A_104 = arith.constant 0 : index
    %get3A_105 = vector.load %arg3[%get3A_103, %get3A_104] : memref<10x1xf32, #tpu.memory_space<vmem>>, vector<10x1xf32>
    %get3A_106 = arith.constant 0 : index
    %get3A_107 = arith.constant 0 : index
    %get3A_108 = vector.load %arg4[%get3A_106, %get3A_107] : memref<1x128xf32, #tpu.memory_space<vmem>>, vector<1x128xf32>
    %iota3A = tpu.iota {dimensions = array<i32: 1>} : vector<10x1000xi32>
    %get3A_109 = arith.constant 0 : index
    %get3A_110 = arith.constant 0 : index
    %get3A_111 = vector.load %arg7[%get3A_109, %get3A_110] : memref<10x1000xf32, #tpu.memory_space<vmem>>, vector<10x1000xf32>
    %get3A_112 = arith.constant 0 : index
    %get3A_113 = arith.constant 0 : index
    %get3A_114 = vector.load %arg8[%get3A_112, %get3A_113] : memref<10x128xf32, #tpu.memory_space<vmem>>, vector<10x1xf32>
    %get3A_115 = arith.constant 0 : index
    %get3A_116 = arith.constant 0 : index
    %get3A_117 = vector.load %arg9[%get3A_115, %get3A_116] : memref<10x128xf32, #tpu.memory_space<vmem>>, vector<10x128xf32>
    %scan3A = arith.constant 0 : i32
    %scan3A_118 = arith.constant 125 : i32
    %scan3A_119 = arith.addi %scan3A, %scan3A_118 : i32
    %scan3A_120 = arith.constant 1 : i32
    %scan3A_121:3 = scf.for %scan3A_139 = %scan3A to %scan3A_119 step %scan3A_120 iter_args(%scan3A_140 = %get3A_111, %scan3A_141 = %get3A_114, %scan3A_142 = %get3A_117) -> (vector<10x1000xf32>, vector<10x1xf32>, vector<10x128xf32>)  : i32 {
      %mul3A_143 = arith.constant 8 : i32
      %mul3A_144 = arith.muli %scan3A_139, %mul3A_143 : i32
      %get3A_145 = arith.index_cast %mul3A_144 : i32 to index
      %get3A_146 = arith.constant 0 : index
      %get3A_147 = vector.load %arg5[%get3A_145, %get3A_146] : memref<1000x1000xf32, #tpu.memory_space<vmem>>, vector<8x1000xf32>
      %gt3A = arith.constant 0.000000e+00 : f32
      %gt3A_148 = vector.broadcast %gt3A : f32 to vector<10x1000xf32>
      %gt3A_149 = arith.cmpf ogt, %scan3A_140, %gt3A_148 : vector<10x1000xf32>
      %slice3A_150 = vector.extract_strided_slice %get3A_147 {offsets = [0, 0], sizes = [1, 1000], strides = [1, 1]} : vector<8x1000xf32> to vector<1x1000xf32>
      %broadcast_in_dim3A_151 = vector.shape_cast %slice3A_150 : vector<1x1000xf32> to vector<1x1000xf32>
      %broadcast_in_dim3A_152 = vector.broadcast %broadcast_in_dim3A_151 : vector<1x1000xf32> to vector<10x1000xf32>
      %jit3A_153 = arith.constant -1.000000e+00 : f32
      %broadcast_in_dim3A_154 = vector.broadcast %jit3A_153 : f32 to vector<10x1000xf32>
      %select_n3A_155 = arith.select %gt3A_149, %broadcast_in_dim3A_154, %broadcast_in_dim3A_152 : vector<10x1000xi1>, vector<10x1000xf32>
      %reduce_max3A_156 = arith.constant dense<0xFF800000> : vector<10xf32>
      %reduce_max3A_157 = vector.multi_reduction <maximumf>, %select_n3A_155, %reduce_max3A_156 [1] : vector<10x1000xf32> to vector<10xf32>
      %broadcast_in_dim3A_158 = vector.shape_cast %reduce_max3A_157 : vector<10xf32> to vector<10x1xf32>
      %ge3A = arith.cmpf oge, %broadcast_in_dim3A_158, %get3A_105 : vector<10x1xf32>
      %eq3A_159 = vector.broadcast %broadcast_in_dim3A_158 : vector<10x1xf32> to vector<10x1000xf32>
      %eq3A_160 = arith.cmpf oeq, %select_n3A_155, %eq3A_159 : vector<10x1000xf32>
      %jit3A_161 = arith.constant 1000 : i32
      %broadcast_in_dim3A_162 = vector.broadcast %jit3A_161 : i32 to vector<10x1000xi32>
      %select_n3A_163 = arith.select %eq3A_160, %iota3A, %broadcast_in_dim3A_162 : vector<10x1000xi1>, vector<10x1000xi32>
      %reduce_min3A_164 = arith.constant dense<2147483647> : vector<10xi32>
      %reduce_min3A_165 = vector.multi_reduction <minsi>, %select_n3A_163, %reduce_min3A_164 [1] : vector<10x1000xi32> to vector<10xi32>
      %broadcast_in_dim3A_166 = vector.shape_cast %reduce_min3A_165 : vector<10xi32> to vector<10x1xi32>
      %eq3A_167 = vector.broadcast %broadcast_in_dim3A_166 : vector<10x1xi32> to vector<10x1000xi32>
      %eq3A_168 = arith.cmpi eq, %iota3A, %eq3A_167 : vector<10x1000xi32>
      %and3A = vector.broadcast %ge3A : vector<10x1xi1> to vector<10x1000xi1>
      %and3A_169 = arith.andi %eq3A_168, %and3A : vector<10x1000xi1>
      %jit3A_170 = arith.constant 1.000000e+00 : f32
      %broadcast_in_dim3A_171 = vector.broadcast %jit3A_170 : f32 to vector<10x1000xf32>
      %select_n3A_172 = arith.select %and3A_169, %broadcast_in_dim3A_171, %scan3A_140 : vector<10x1000xi1>, vector<10x1000xf32>
      %jit3A_173 = arith.constant 1.000000e+00 : f32
      %jit3A_174 = arith.constant 0.000000e+00 : f32
      %broadcast_in_dim3A_175 = vector.broadcast %jit3A_173 : f32 to vector<10x1xf32>
      %broadcast_in_dim3A_176 = vector.broadcast %jit3A_174 : f32 to vector<10x1xf32>
      %select_n3A_177 = arith.select %ge3A, %broadcast_in_dim3A_175, %broadcast_in_dim3A_176 : vector<10x1xi1>, vector<10x1xf32>
      %add3A_178 = arith.addf %scan3A_141, %select_n3A_177 : vector<10x1xf32>
      %mul3A_179 = arith.constant 1000 : i32
      %mul3A_180 = arith.muli %arg0, %mul3A_179 : i32
      %mul3A_181 = arith.constant 8 : i32
      %mul3A_182 = arith.muli %scan3A_139, %mul3A_181 : i32
      %add3A_183 = arith.addi %mul3A_180, %mul3A_182 : i32
      %add3A_184 = arith.constant 0 : i32
      %add3A_185 = arith.addi %add3A_183, %add3A_184 : i32
      %add3A_186 = arith.constant 1 : i32
      %add3A_187 = arith.addi %add3A_185, %add3A_186 : i32
      %convert_element_type3A_188 = arith.sitofp %add3A_187 : i32 to f32
      %div3A_189 = arith.constant 1.000000e+00 : f32
      %div3A_190 = arith.divf %div3A_189, %convert_element_type3A_188 : f32
      %mul3A_191 = arith.constant 1.000000e-03 : f32
      %mul3A_192 = vector.broadcast %mul3A_191 : f32 to vector<10x1xf32>
      %mul3A_193 = arith.mulf %add3A_178, %mul3A_192 : vector<10x1xf32>
      %ge3A_194 = vector.broadcast %mul3A_193 : vector<10x1xf32> to vector<10x128xf32>
      %ge3A_195 = vector.broadcast %get3A_108 : vector<1x128xf32> to vector<10x128xf32>
      %ge3A_196 = arith.cmpf oge, %ge3A_194, %ge3A_195 : vector<10x128xf32>
      %mul3A_197 = vector.broadcast %div3A_190 : f32 to vector<10x1xf32>
      %mul3A_198 = arith.mulf %add3A_178, %mul3A_197 : vector<10x1xf32>
      %jit3A_199 = arith.constant 0.000000e+00 : f32
      %broadcast_in_dim3A_200 = vector.shape_cast %mul3A_198 : vector<10x1xf32> to vector<10x1xf32>
      %broadcast_in_dim3A_201 = vector.broadcast %broadcast_in_dim3A_200 : vector<10x1xf32> to vector<10x128xf32>
      %broadcast_in_dim3A_202 = vector.broadcast %jit3A_199 : f32 to vector<10x128xf32>
      %select_n3A_203 = arith.select %ge3A_196, %broadcast_in_dim3A_201, %broadcast_in_dim3A_202 : vector<10x128xi1>, vector<10x128xf32>
      %max3A_204 = arith.maximumf %scan3A_142, %select_n3A_203 : vector<10x128xf32>
      %gt3A_205 = arith.constant 0.000000e+00 : f32
      %gt3A_206 = vector.broadcast %gt3A_205 : f32 to vector<10x1000xf32>
      %gt3A_207 = arith.cmpf ogt, %select_n3A_172, %gt3A_206 : vector<10x1000xf32>
      %slice3A_208 = vector.extract_strided_slice %get3A_147 {offsets = [1, 0], sizes = [1, 1000], strides = [1, 1]} : vector<8x1000xf32> to vector<1x1000xf32>
      %broadcast_in_dim3A_209 = vector.shape_cast %slice3A_208 : vector<1x1000xf32> to vector<1x1000xf32>
      %broadcast_in_dim3A_210 = vector.broadcast %broadcast_in_dim3A_209 : vector<1x1000xf32> to vector<10x1000xf32>
      %jit3A_211 = arith.constant -1.000000e+00 : f32
      %broadcast_in_dim3A_212 = vector.broadcast %jit3A_211 : f32 to vector<10x1000xf32>
      %select_n3A_213 = arith.select %gt3A_207, %broadcast_in_dim3A_212, %broadcast_in_dim3A_210 : vector<10x1000xi1>, vector<10x1000xf32>
      %reduce_max3A_214 = arith.constant dense<0xFF800000> : vector<10xf32>
      %reduce_max3A_215 = vector.multi_reduction <maximumf>, %select_n3A_213, %reduce_max3A_214 [1] : vector<10x1000xf32> to vector<10xf32>
      %broadcast_in_dim3A_216 = vector.shape_cast %reduce_max3A_215 : vector<10xf32> to vector<10x1xf32>
      %ge3A_217 = arith.cmpf oge, %broadcast_in_dim3A_216, %get3A_105 : vector<10x1xf32>
      %eq3A_218 = vector.broadcast %broadcast_in_dim3A_216 : vector<10x1xf32> to vector<10x1000xf32>
      %eq3A_219 = arith.cmpf oeq, %select_n3A_213, %eq3A_218 : vector<10x1000xf32>
      %jit3A_220 = arith.constant 1000 : i32
      %broadcast_in_dim3A_221 = vector.broadcast %jit3A_220 : i32 to vector<10x1000xi32>
      %select_n3A_222 = arith.select %eq3A_219, %iota3A, %broadcast_in_dim3A_221 : vector<10x1000xi1>, vector<10x1000xi32>
      %reduce_min3A_223 = arith.constant dense<2147483647> : vector<10xi32>
      %reduce_min3A_224 = vector.multi_reduction <minsi>, %select_n3A_222, %reduce_min3A_223 [1] : vector<10x1000xi32> to vector<10xi32>
      %broadcast_in_dim3A_225 = vector.shape_cast %reduce_min3A_224 : vector<10xi32> to vector<10x1xi32>
      %eq3A_226 = vector.broadcast %broadcast_in_dim3A_225 : vector<10x1xi32> to vector<10x1000xi32>
      %eq3A_227 = arith.cmpi eq, %iota3A, %eq3A_226 : vector<10x1000xi32>
      %and3A_228 = vector.broadcast %ge3A_217 : vector<10x1xi1> to vector<10x1000xi1>
      %and3A_229 = arith.andi %eq3A_227, %and3A_228 : vector<10x1000xi1>
      %jit3A_230 = arith.constant 1.000000e+00 : f32
      %broadcast_in_dim3A_231 = vector.broadcast %jit3A_230 : f32 to vector<10x1000xf32>
      %select_n3A_232 = arith.select %and3A_229, %broadcast_in_dim3A_231, %select_n3A_172 : vector<10x1000xi1>, vector<10x1000xf32>
      %jit3A_233 = arith.constant 1.000000e+00 : f32
      %jit3A_234 = arith.constant 0.000000e+00 : f32
      %broadcast_in_dim3A_235 = vector.broadcast %jit3A_233 : f32 to vector<10x1xf32>
      %broadcast_in_dim3A_236 = vector.broadcast %jit3A_234 : f32 to vector<10x1xf32>
      %select_n3A_237 = arith.select %ge3A_217, %broadcast_in_dim3A_235, %broadcast_in_dim3A_236 : vector<10x1xi1>, vector<10x1xf32>
      %add3A_238 = arith.addf %add3A_178, %select_n3A_237 : vector<10x1xf32>
      %mul3A_239 = arith.constant 1000 : i32
      %mul3A_240 = arith.muli %arg0, %mul3A_239 : i32
      %mul3A_241 = arith.constant 8 : i32
      %mul3A_242 = arith.muli %scan3A_139, %mul3A_241 : i32
      %add3A_243 = arith.addi %mul3A_240, %mul3A_242 : i32
      %add3A_244 = arith.constant 1 : i32
      %add3A_245 = arith.addi %add3A_243, %add3A_244 : i32
      %add3A_246 = arith.constant 1 : i32
      %add3A_247 = arith.addi %add3A_245, %add3A_246 : i32
      %convert_element_type3A_248 = arith.sitofp %add3A_247 : i32 to f32
      %div3A_249 = arith.constant 1.000000e+00 : f32
      %div3A_250 = arith.divf %div3A_249, %convert_element_type3A_248 : f32
      %mul3A_251 = arith.constant 1.000000e-03 : f32
      %mul3A_252 = vector.broadcast %mul3A_251 : f32 to vector<10x1xf32>
      %mul3A_253 = arith.mulf %add3A_238, %mul3A_252 : vector<10x1xf32>
      %ge3A_254 = vector.broadcast %mul3A_253 : vector<10x1xf32> to vector<10x128xf32>
      %ge3A_255 = vector.broadcast %get3A_108 : vector<1x128xf32> to vector<10x128xf32>
      %ge3A_256 = arith.cmpf oge, %ge3A_254, %ge3A_255 : vector<10x128xf32>
      %mul3A_257 = vector.broadcast %div3A_250 : f32 to vector<10x1xf32>
      %mul3A_258 = arith.mulf %add3A_238, %mul3A_257 : vector<10x1xf32>
      %jit3A_259 = arith.constant 0.000000e+00 : f32
      %broadcast_in_dim3A_260 = vector.shape_cast %mul3A_258 : vector<10x1xf32> to vector<10x1xf32>
      %broadcast_in_dim3A_261 = vector.broadcast %broadcast_in_dim3A_260 : vector<10x1xf32> to vector<10x128xf32>
      %broadcast_in_dim3A_262 = vector.broadcast %jit3A_259 : f32 to vector<10x128xf32>
      %select_n3A_263 = arith.select %ge3A_256, %broadcast_in_dim3A_261, %broadcast_in_dim3A_262 : vector<10x128xi1>, vector<10x128xf32>
      %max3A_264 = arith.maximumf %max3A_204, %select_n3A_263 : vector<10x128xf32>
      %gt3A_265 = arith.constant 0.000000e+00 : f32
      %gt3A_266 = vector.broadcast %gt3A_265 : f32 to vector<10x1000xf32>
      %gt3A_267 = arith.cmpf ogt, %select_n3A_232, %gt3A_266 : vector<10x1000xf32>
      %slice3A_268 = vector.extract_strided_slice %get3A_147 {offsets = [2, 0], sizes = [1, 1000], strides = [1, 1]} : vector<8x1000xf32> to vector<1x1000xf32>
      %broadcast_in_dim3A_269 = vector.shape_cast %slice3A_268 : vector<1x1000xf32> to vector<1x1000xf32>
      %broadcast_in_dim3A_270 = vector.broadcast %broadcast_in_dim3A_269 : vector<1x1000xf32> to vector<10x1000xf32>
      %jit3A_271 = arith.constant -1.000000e+00 : f32
      %broadcast_in_dim3A_272 = vector.broadcast %jit3A_271 : f32 to vector<10x1000xf32>
      %select_n3A_273 = arith.select %gt3A_267, %broadcast_in_dim3A_272, %broadcast_in_dim3A_270 : vector<10x1000xi1>, vector<10x1000xf32>
      %reduce_max3A_274 = arith.constant dense<0xFF800000> : vector<10xf32>
      %reduce_max3A_275 = vector.multi_reduction <maximumf>, %select_n3A_273, %reduce_max3A_274 [1] : vector<10x1000xf32> to vector<10xf32>
      %broadcast_in_dim3A_276 = vector.shape_cast %reduce_max3A_275 : vector<10xf32> to vector<10x1xf32>
      %ge3A_277 = arith.cmpf oge, %broadcast_in_dim3A_276, %get3A_105 : vector<10x1xf32>
      %eq3A_278 = vector.broadcast %broadcast_in_dim3A_276 : vector<10x1xf32> to vector<10x1000xf32>
      %eq3A_279 = arith.cmpf oeq, %select_n3A_273, %eq3A_278 : vector<10x1000xf32>
      %jit3A_280 = arith.constant 1000 : i32
      %broadcast_in_dim3A_281 = vector.broadcast %jit3A_280 : i32 to vector<10x1000xi32>
      %select_n3A_282 = arith.select %eq3A_279, %iota3A, %broadcast_in_dim3A_281 : vector<10x1000xi1>, vector<10x1000xi32>
      %reduce_min3A_283 = arith.constant dense<2147483647> : vector<10xi32>
      %reduce_min3A_284 = vector.multi_reduction <minsi>, %select_n3A_282, %reduce_min3A_283 [1] : vector<10x1000xi32> to vector<10xi32>
      %broadcast_in_dim3A_285 = vector.shape_cast %reduce_min3A_284 : vector<10xi32> to vector<10x1xi32>
      %eq3A_286 = vector.broadcast %broadcast_in_dim3A_285 : vector<10x1xi32> to vector<10x1000xi32>
      %eq3A_287 = arith.cmpi eq, %iota3A, %eq3A_286 : vector<10x1000xi32>
      %and3A_288 = vector.broadcast %ge3A_277 : vector<10x1xi1> to vector<10x1000xi1>
      %and3A_289 = arith.andi %eq3A_287, %and3A_288 : vector<10x1000xi1>
      %jit3A_290 = arith.constant 1.000000e+00 : f32
      %broadcast_in_dim3A_291 = vector.broadcast %jit3A_290 : f32 to vector<10x1000xf32>
      %select_n3A_292 = arith.select %and3A_289, %broadcast_in_dim3A_291, %select_n3A_232 : vector<10x1000xi1>, vector<10x1000xf32>
      %jit3A_293 = arith.constant 1.000000e+00 : f32
      %jit3A_294 = arith.constant 0.000000e+00 : f32
      %broadcast_in_dim3A_295 = vector.broadcast %jit3A_293 : f32 to vector<10x1xf32>
      %broadcast_in_dim3A_296 = vector.broadcast %jit3A_294 : f32 to vector<10x1xf32>
      %select_n3A_297 = arith.select %ge3A_277, %broadcast_in_dim3A_295, %broadcast_in_dim3A_296 : vector<10x1xi1>, vector<10x1xf32>
      %add3A_298 = arith.addf %add3A_238, %select_n3A_297 : vector<10x1xf32>
      %mul3A_299 = arith.constant 1000 : i32
      %mul3A_300 = arith.muli %arg0, %mul3A_299 : i32
      %mul3A_301 = arith.constant 8 : i32
      %mul3A_302 = arith.muli %scan3A_139, %mul3A_301 : i32
      %add3A_303 = arith.addi %mul3A_300, %mul3A_302 : i32
      %add3A_304 = arith.constant 2 : i32
      %add3A_305 = arith.addi %add3A_303, %add3A_304 : i32
      %add3A_306 = arith.constant 1 : i32
      %add3A_307 = arith.addi %add3A_305, %add3A_306 : i32
      %convert_element_type3A_308 = arith.sitofp %add3A_307 : i32 to f32
      %div3A_309 = arith.constant 1.000000e+00 : f32
      %div3A_310 = arith.divf %div3A_309, %convert_element_type3A_308 : f32
      %mul3A_311 = arith.constant 1.000000e-03 : f32
      %mul3A_312 = vector.broadcast %mul3A_311 : f32 to vector<10x1xf32>
      %mul3A_313 = arith.mulf %add3A_298, %mul3A_312 : vector<10x1xf32>
      %ge3A_314 = vector.broadcast %mul3A_313 : vector<10x1xf32> to vector<10x128xf32>
      %ge3A_315 = vector.broadcast %get3A_108 : vector<1x128xf32> to vector<10x128xf32>
      %ge3A_316 = arith.cmpf oge, %ge3A_314, %ge3A_315 : vector<10x128xf32>
      %mul3A_317 = vector.broadcast %div3A_310 : f32 to vector<10x1xf32>
      %mul3A_318 = arith.mulf %add3A_298, %mul3A_317 : vector<10x1xf32>
      %jit3A_319 = arith.constant 0.000000e+00 : f32
      %broadcast_in_dim3A_320 = vector.shape_cast %mul3A_318 : vector<10x1xf32> to vector<10x1xf32>
      %broadcast_in_dim3A_321 = vector.broadcast %broadcast_in_dim3A_320 : vector<10x1xf32> to vector<10x128xf32>
      %broadcast_in_dim3A_322 = vector.broadcast %jit3A_319 : f32 to vector<10x128xf32>
      %select_n3A_323 = arith.select %ge3A_316, %broadcast_in_dim3A_321, %broadcast_in_dim3A_322 : vector<10x128xi1>, vector<10x128xf32>
      %max3A_324 = arith.maximumf %max3A_264, %select_n3A_323 : vector<10x128xf32>
      %gt3A_325 = arith.constant 0.000000e+00 : f32
      %gt3A_326 = vector.broadcast %gt3A_325 : f32 to vector<10x1000xf32>
      %gt3A_327 = arith.cmpf ogt, %select_n3A_292, %gt3A_326 : vector<10x1000xf32>
      %slice3A_328 = vector.extract_strided_slice %get3A_147 {offsets = [3, 0], sizes = [1, 1000], strides = [1, 1]} : vector<8x1000xf32> to vector<1x1000xf32>
      %broadcast_in_dim3A_329 = vector.shape_cast %slice3A_328 : vector<1x1000xf32> to vector<1x1000xf32>
      %broadcast_in_dim3A_330 = vector.broadcast %broadcast_in_dim3A_329 : vector<1x1000xf32> to vector<10x1000xf32>
      %jit3A_331 = arith.constant -1.000000e+00 : f32
      %broadcast_in_dim3A_332 = vector.broadcast %jit3A_331 : f32 to vector<10x1000xf32>
      %select_n3A_333 = arith.select %gt3A_327, %broadcast_in_dim3A_332, %broadcast_in_dim3A_330 : vector<10x1000xi1>, vector<10x1000xf32>
      %reduce_max3A_334 = arith.constant dense<0xFF800000> : vector<10xf32>
      %reduce_max3A_335 = vector.multi_reduction <maximumf>, %select_n3A_333, %reduce_max3A_334 [1] : vector<10x1000xf32> to vector<10xf32>
      %broadcast_in_dim3A_336 = vector.shape_cast %reduce_max3A_335 : vector<10xf32> to vector<10x1xf32>
      %ge3A_337 = arith.cmpf oge, %broadcast_in_dim3A_336, %get3A_105 : vector<10x1xf32>
      %eq3A_338 = vector.broadcast %broadcast_in_dim3A_336 : vector<10x1xf32> to vector<10x1000xf32>
      %eq3A_339 = arith.cmpf oeq, %select_n3A_333, %eq3A_338 : vector<10x1000xf32>
      %jit3A_340 = arith.constant 1000 : i32
      %broadcast_in_dim3A_341 = vector.broadcast %jit3A_340 : i32 to vector<10x1000xi32>
      %select_n3A_342 = arith.select %eq3A_339, %iota3A, %broadcast_in_dim3A_341 : vector<10x1000xi1>, vector<10x1000xi32>
      %reduce_min3A_343 = arith.constant dense<2147483647> : vector<10xi32>
      %reduce_min3A_344 = vector.multi_reduction <minsi>, %select_n3A_342, %reduce_min3A_343 [1] : vector<10x1000xi32> to vector<10xi32>
      %broadcast_in_dim3A_345 = vector.shape_cast %reduce_min3A_344 : vector<10xi32> to vector<10x1xi32>
      %eq3A_346 = vector.broadcast %broadcast_in_dim3A_345 : vector<10x1xi32> to vector<10x1000xi32>
      %eq3A_347 = arith.cmpi eq, %iota3A, %eq3A_346 : vector<10x1000xi32>
      %and3A_348 = vector.broadcast %ge3A_337 : vector<10x1xi1> to vector<10x1000xi1>
      %and3A_349 = arith.andi %eq3A_347, %and3A_348 : vector<10x1000xi1>
      %jit3A_350 = arith.constant 1.000000e+00 : f32
      %broadcast_in_dim3A_351 = vector.broadcast %jit3A_350 : f32 to vector<10x1000xf32>
      %select_n3A_352 = arith.select %and3A_349, %broadcast_in_dim3A_351, %select_n3A_292 : vector<10x1000xi1>, vector<10x1000xf32>
      %jit3A_353 = arith.constant 1.000000e+00 : f32
      %jit3A_354 = arith.constant 0.000000e+00 : f32
      %broadcast_in_dim3A_355 = vector.broadcast %jit3A_353 : f32 to vector<10x1xf32>
      %broadcast_in_dim3A_356 = vector.broadcast %jit3A_354 : f32 to vector<10x1xf32>
      %select_n3A_357 = arith.select %ge3A_337, %broadcast_in_dim3A_355, %broadcast_in_dim3A_356 : vector<10x1xi1>, vector<10x1xf32>
      %add3A_358 = arith.addf %add3A_298, %select_n3A_357 : vector<10x1xf32>
      %mul3A_359 = arith.constant 1000 : i32
      %mul3A_360 = arith.muli %arg0, %mul3A_359 : i32
      %mul3A_361 = arith.constant 8 : i32
      %mul3A_362 = arith.muli %scan3A_139, %mul3A_361 : i32
      %add3A_363 = arith.addi %mul3A_360, %mul3A_362 : i32
      %add3A_364 = arith.constant 3 : i32
      %add3A_365 = arith.addi %add3A_363, %add3A_364 : i32
      %add3A_366 = arith.constant 1 : i32
      %add3A_367 = arith.addi %add3A_365, %add3A_366 : i32
      %convert_element_type3A_368 = arith.sitofp %add3A_367 : i32 to f32
      %div3A_369 = arith.constant 1.000000e+00 : f32
      %div3A_370 = arith.divf %div3A_369, %convert_element_type3A_368 : f32
      %mul3A_371 = arith.constant 1.000000e-03 : f32
      %mul3A_372 = vector.broadcast %mul3A_371 : f32 to vector<10x1xf32>
      %mul3A_373 = arith.mulf %add3A_358, %mul3A_372 : vector<10x1xf32>
      %ge3A_374 = vector.broadcast %mul3A_373 : vector<10x1xf32> to vector<10x128xf32>
      %ge3A_375 = vector.broadcast %get3A_108 : vector<1x128xf32> to vector<10x128xf32>
      %ge3A_376 = arith.cmpf oge, %ge3A_374, %ge3A_375 : vector<10x128xf32>
      %mul3A_377 = vector.broadcast %div3A_370 : f32 to vector<10x1xf32>
      %mul3A_378 = arith.mulf %add3A_358, %mul3A_377 : vector<10x1xf32>
      %jit3A_379 = arith.constant 0.000000e+00 : f32
      %broadcast_in_dim3A_380 = vector.shape_cast %mul3A_378 : vector<10x1xf32> to vector<10x1xf32>
      %broadcast_in_dim3A_381 = vector.broadcast %broadcast_in_dim3A_380 : vector<10x1xf32> to vector<10x128xf32>
      %broadcast_in_dim3A_382 = vector.broadcast %jit3A_379 : f32 to vector<10x128xf32>
      %select_n3A_383 = arith.select %ge3A_376, %broadcast_in_dim3A_381, %broadcast_in_dim3A_382 : vector<10x128xi1>, vector<10x128xf32>
      %max3A_384 = arith.maximumf %max3A_324, %select_n3A_383 : vector<10x128xf32>
      %gt3A_385 = arith.constant 0.000000e+00 : f32
      %gt3A_386 = vector.broadcast %gt3A_385 : f32 to vector<10x1000xf32>
      %gt3A_387 = arith.cmpf ogt, %select_n3A_352, %gt3A_386 : vector<10x1000xf32>
      %slice3A_388 = vector.extract_strided_slice %get3A_147 {offsets = [4, 0], sizes = [1, 1000], strides = [1, 1]} : vector<8x1000xf32> to vector<1x1000xf32>
      %broadcast_in_dim3A_389 = vector.shape_cast %slice3A_388 : vector<1x1000xf32> to vector<1x1000xf32>
      %broadcast_in_dim3A_390 = vector.broadcast %broadcast_in_dim3A_389 : vector<1x1000xf32> to vector<10x1000xf32>
      %jit3A_391 = arith.constant -1.000000e+00 : f32
      %broadcast_in_dim3A_392 = vector.broadcast %jit3A_391 : f32 to vector<10x1000xf32>
      %select_n3A_393 = arith.select %gt3A_387, %broadcast_in_dim3A_392, %broadcast_in_dim3A_390 : vector<10x1000xi1>, vector<10x1000xf32>
      %reduce_max3A_394 = arith.constant dense<0xFF800000> : vector<10xf32>
      %reduce_max3A_395 = vector.multi_reduction <maximumf>, %select_n3A_393, %reduce_max3A_394 [1] : vector<10x1000xf32> to vector<10xf32>
      %broadcast_in_dim3A_396 = vector.shape_cast %reduce_max3A_395 : vector<10xf32> to vector<10x1xf32>
      %ge3A_397 = arith.cmpf oge, %broadcast_in_dim3A_396, %get3A_105 : vector<10x1xf32>
      %eq3A_398 = vector.broadcast %broadcast_in_dim3A_396 : vector<10x1xf32> to vector<10x1000xf32>
      %eq3A_399 = arith.cmpf oeq, %select_n3A_393, %eq3A_398 : vector<10x1000xf32>
      %jit3A_400 = arith.constant 1000 : i32
      %broadcast_in_dim3A_401 = vector.broadcast %jit3A_400 : i32 to vector<10x1000xi32>
      %select_n3A_402 = arith.select %eq3A_399, %iota3A, %broadcast_in_dim3A_401 : vector<10x1000xi1>, vector<10x1000xi32>
      %reduce_min3A_403 = arith.constant dense<2147483647> : vector<10xi32>
      %reduce_min3A_404 = vector.multi_reduction <minsi>, %select_n3A_402, %reduce_min3A_403 [1] : vector<10x1000xi32> to vector<10xi32>
      %broadcast_in_dim3A_405 = vector.shape_cast %reduce_min3A_404 : vector<10xi32> to vector<10x1xi32>
      %eq3A_406 = vector.broadcast %broadcast_in_dim3A_405 : vector<10x1xi32> to vector<10x1000xi32>
      %eq3A_407 = arith.cmpi eq, %iota3A, %eq3A_406 : vector<10x1000xi32>
      %and3A_408 = vector.broadcast %ge3A_397 : vector<10x1xi1> to vector<10x1000xi1>
      %and3A_409 = arith.andi %eq3A_407, %and3A_408 : vector<10x1000xi1>
      %jit3A_410 = arith.constant 1.000000e+00 : f32
      %broadcast_in_dim3A_411 = vector.broadcast %jit3A_410 : f32 to vector<10x1000xf32>
      %select_n3A_412 = arith.select %and3A_409, %broadcast_in_dim3A_411, %select_n3A_352 : vector<10x1000xi1>, vector<10x1000xf32>
      %jit3A_413 = arith.constant 1.000000e+00 : f32
      %jit3A_414 = arith.constant 0.000000e+00 : f32
      %broadcast_in_dim3A_415 = vector.broadcast %jit3A_413 : f32 to vector<10x1xf32>
      %broadcast_in_dim3A_416 = vector.broadcast %jit3A_414 : f32 to vector<10x1xf32>
      %select_n3A_417 = arith.select %ge3A_397, %broadcast_in_dim3A_415, %broadcast_in_dim3A_416 : vector<10x1xi1>, vector<10x1xf32>
      %add3A_418 = arith.addf %add3A_358, %select_n3A_417 : vector<10x1xf32>
      %mul3A_419 = arith.constant 1000 : i32
      %mul3A_420 = arith.muli %arg0, %mul3A_419 : i32
      %mul3A_421 = arith.constant 8 : i32
      %mul3A_422 = arith.muli %scan3A_139, %mul3A_421 : i32
      %add3A_423 = arith.addi %mul3A_420, %mul3A_422 : i32
      %add3A_424 = arith.constant 4 : i32
      %add3A_425 = arith.addi %add3A_423, %add3A_424 : i32
      %add3A_426 = arith.constant 1 : i32
      %add3A_427 = arith.addi %add3A_425, %add3A_426 : i32
      %convert_element_type3A_428 = arith.sitofp %add3A_427 : i32 to f32
      %div3A_429 = arith.constant 1.000000e+00 : f32
      %div3A_430 = arith.divf %div3A_429, %convert_element_type3A_428 : f32
      %mul3A_431 = arith.constant 1.000000e-03 : f32
      %mul3A_432 = vector.broadcast %mul3A_431 : f32 to vector<10x1xf32>
      %mul3A_433 = arith.mulf %add3A_418, %mul3A_432 : vector<10x1xf32>
      %ge3A_434 = vector.broadcast %mul3A_433 : vector<10x1xf32> to vector<10x128xf32>
      %ge3A_435 = vector.broadcast %get3A_108 : vector<1x128xf32> to vector<10x128xf32>
      %ge3A_436 = arith.cmpf oge, %ge3A_434, %ge3A_435 : vector<10x128xf32>
      %mul3A_437 = vector.broadcast %div3A_430 : f32 to vector<10x1xf32>
      %mul3A_438 = arith.mulf %add3A_418, %mul3A_437 : vector<10x1xf32>
      %jit3A_439 = arith.constant 0.000000e+00 : f32
      %broadcast_in_dim3A_440 = vector.shape_cast %mul3A_438 : vector<10x1xf32> to vector<10x1xf32>
      %broadcast_in_dim3A_441 = vector.broadcast %broadcast_in_dim3A_440 : vector<10x1xf32> to vector<10x128xf32>
      %broadcast_in_dim3A_442 = vector.broadcast %jit3A_439 : f32 to vector<10x128xf32>
      %select_n3A_443 = arith.select %ge3A_436, %broadcast_in_dim3A_441, %broadcast_in_dim3A_442 : vector<10x128xi1>, vector<10x128xf32>
      %max3A_444 = arith.maximumf %max3A_384, %select_n3A_443 : vector<10x128xf32>
      %gt3A_445 = arith.constant 0.000000e+00 : f32
      %gt3A_446 = vector.broadcast %gt3A_445 : f32 to vector<10x1000xf32>
      %gt3A_447 = arith.cmpf ogt, %select_n3A_412, %gt3A_446 : vector<10x1000xf32>
      %slice3A_448 = vector.extract_strided_slice %get3A_147 {offsets = [5, 0], sizes = [1, 1000], strides = [1, 1]} : vector<8x1000xf32> to vector<1x1000xf32>
      %broadcast_in_dim3A_449 = vector.shape_cast %slice3A_448 : vector<1x1000xf32> to vector<1x1000xf32>
      %broadcast_in_dim3A_450 = vector.broadcast %broadcast_in_dim3A_449 : vector<1x1000xf32> to vector<10x1000xf32>
      %jit3A_451 = arith.constant -1.000000e+00 : f32
      %broadcast_in_dim3A_452 = vector.broadcast %jit3A_451 : f32 to vector<10x1000xf32>
      %select_n3A_453 = arith.select %gt3A_447, %broadcast_in_dim3A_452, %broadcast_in_dim3A_450 : vector<10x1000xi1>, vector<10x1000xf32>
      %reduce_max3A_454 = arith.constant dense<0xFF800000> : vector<10xf32>
      %reduce_max3A_455 = vector.multi_reduction <maximumf>, %select_n3A_453, %reduce_max3A_454 [1] : vector<10x1000xf32> to vector<10xf32>
      %broadcast_in_dim3A_456 = vector.shape_cast %reduce_max3A_455 : vector<10xf32> to vector<10x1xf32>
      %ge3A_457 = arith.cmpf oge, %broadcast_in_dim3A_456, %get3A_105 : vector<10x1xf32>
      %eq3A_458 = vector.broadcast %broadcast_in_dim3A_456 : vector<10x1xf32> to vector<10x1000xf32>
      %eq3A_459 = arith.cmpf oeq, %select_n3A_453, %eq3A_458 : vector<10x1000xf32>
      %jit3A_460 = arith.constant 1000 : i32
      %broadcast_in_dim3A_461 = vector.broadcast %jit3A_460 : i32 to vector<10x1000xi32>
      %select_n3A_462 = arith.select %eq3A_459, %iota3A, %broadcast_in_dim3A_461 : vector<10x1000xi1>, vector<10x1000xi32>
      %reduce_min3A_463 = arith.constant dense<2147483647> : vector<10xi32>
      %reduce_min3A_464 = vector.multi_reduction <minsi>, %select_n3A_462, %reduce_min3A_463 [1] : vector<10x1000xi32> to vector<10xi32>
      %broadcast_in_dim3A_465 = vector.shape_cast %reduce_min3A_464 : vector<10xi32> to vector<10x1xi32>
      %eq3A_466 = vector.broadcast %broadcast_in_dim3A_465 : vector<10x1xi32> to vector<10x1000xi32>
      %eq3A_467 = arith.cmpi eq, %iota3A, %eq3A_466 : vector<10x1000xi32>
      %and3A_468 = vector.broadcast %ge3A_457 : vector<10x1xi1> to vector<10x1000xi1>
      %and3A_469 = arith.andi %eq3A_467, %and3A_468 : vector<10x1000xi1>
      %jit3A_470 = arith.constant 1.000000e+00 : f32
      %broadcast_in_dim3A_471 = vector.broadcast %jit3A_470 : f32 to vector<10x1000xf32>
      %select_n3A_472 = arith.select %and3A_469, %broadcast_in_dim3A_471, %select_n3A_412 : vector<10x1000xi1>, vector<10x1000xf32>
      %jit3A_473 = arith.constant 1.000000e+00 : f32
      %jit3A_474 = arith.constant 0.000000e+00 : f32
      %broadcast_in_dim3A_475 = vector.broadcast %jit3A_473 : f32 to vector<10x1xf32>
      %broadcast_in_dim3A_476 = vector.broadcast %jit3A_474 : f32 to vector<10x1xf32>
      %select_n3A_477 = arith.select %ge3A_457, %broadcast_in_dim3A_475, %broadcast_in_dim3A_476 : vector<10x1xi1>, vector<10x1xf32>
      %add3A_478 = arith.addf %add3A_418, %select_n3A_477 : vector<10x1xf32>
      %mul3A_479 = arith.constant 1000 : i32
      %mul3A_480 = arith.muli %arg0, %mul3A_479 : i32
      %mul3A_481 = arith.constant 8 : i32
      %mul3A_482 = arith.muli %scan3A_139, %mul3A_481 : i32
      %add3A_483 = arith.addi %mul3A_480, %mul3A_482 : i32
      %add3A_484 = arith.constant 5 : i32
      %add3A_485 = arith.addi %add3A_483, %add3A_484 : i32
      %add3A_486 = arith.constant 1 : i32
      %add3A_487 = arith.addi %add3A_485, %add3A_486 : i32
      %convert_element_type3A_488 = arith.sitofp %add3A_487 : i32 to f32
      %div3A_489 = arith.constant 1.000000e+00 : f32
      %div3A_490 = arith.divf %div3A_489, %convert_element_type3A_488 : f32
      %mul3A_491 = arith.constant 1.000000e-03 : f32
      %mul3A_492 = vector.broadcast %mul3A_491 : f32 to vector<10x1xf32>
      %mul3A_493 = arith.mulf %add3A_478, %mul3A_492 : vector<10x1xf32>
      %ge3A_494 = vector.broadcast %mul3A_493 : vector<10x1xf32> to vector<10x128xf32>
      %ge3A_495 = vector.broadcast %get3A_108 : vector<1x128xf32> to vector<10x128xf32>
      %ge3A_496 = arith.cmpf oge, %ge3A_494, %ge3A_495 : vector<10x128xf32>
      %mul3A_497 = vector.broadcast %div3A_490 : f32 to vector<10x1xf32>
      %mul3A_498 = arith.mulf %add3A_478, %mul3A_497 : vector<10x1xf32>
      %jit3A_499 = arith.constant 0.000000e+00 : f32
      %broadcast_in_dim3A_500 = vector.shape_cast %mul3A_498 : vector<10x1xf32> to vector<10x1xf32>
      %broadcast_in_dim3A_501 = vector.broadcast %broadcast_in_dim3A_500 : vector<10x1xf32> to vector<10x128xf32>
      %broadcast_in_dim3A_502 = vector.broadcast %jit3A_499 : f32 to vector<10x128xf32>
      %select_n3A_503 = arith.select %ge3A_496, %broadcast_in_dim3A_501, %broadcast_in_dim3A_502 : vector<10x128xi1>, vector<10x128xf32>
      %max3A_504 = arith.maximumf %max3A_444, %select_n3A_503 : vector<10x128xf32>
      %gt3A_505 = arith.constant 0.000000e+00 : f32
      %gt3A_506 = vector.broadcast %gt3A_505 : f32 to vector<10x1000xf32>
      %gt3A_507 = arith.cmpf ogt, %select_n3A_472, %gt3A_506 : vector<10x1000xf32>
      %slice3A_508 = vector.extract_strided_slice %get3A_147 {offsets = [6, 0], sizes = [1, 1000], strides = [1, 1]} : vector<8x1000xf32> to vector<1x1000xf32>
      %broadcast_in_dim3A_509 = vector.shape_cast %slice3A_508 : vector<1x1000xf32> to vector<1x1000xf32>
      %broadcast_in_dim3A_510 = vector.broadcast %broadcast_in_dim3A_509 : vector<1x1000xf32> to vector<10x1000xf32>
      %jit3A_511 = arith.constant -1.000000e+00 : f32
      %broadcast_in_dim3A_512 = vector.broadcast %jit3A_511 : f32 to vector<10x1000xf32>
      %select_n3A_513 = arith.select %gt3A_507, %broadcast_in_dim3A_512, %broadcast_in_dim3A_510 : vector<10x1000xi1>, vector<10x1000xf32>
      %reduce_max3A_514 = arith.constant dense<0xFF800000> : vector<10xf32>
      %reduce_max3A_515 = vector.multi_reduction <maximumf>, %select_n3A_513, %reduce_max3A_514 [1] : vector<10x1000xf32> to vector<10xf32>
      %broadcast_in_dim3A_516 = vector.shape_cast %reduce_max3A_515 : vector<10xf32> to vector<10x1xf32>
      %ge3A_517 = arith.cmpf oge, %broadcast_in_dim3A_516, %get3A_105 : vector<10x1xf32>
      %eq3A_518 = vector.broadcast %broadcast_in_dim3A_516 : vector<10x1xf32> to vector<10x1000xf32>
      %eq3A_519 = arith.cmpf oeq, %select_n3A_513, %eq3A_518 : vector<10x1000xf32>
      %jit3A_520 = arith.constant 1000 : i32
      %broadcast_in_dim3A_521 = vector.broadcast %jit3A_520 : i32 to vector<10x1000xi32>
      %select_n3A_522 = arith.select %eq3A_519, %iota3A, %broadcast_in_dim3A_521 : vector<10x1000xi1>, vector<10x1000xi32>
      %reduce_min3A_523 = arith.constant dense<2147483647> : vector<10xi32>
      %reduce_min3A_524 = vector.multi_reduction <minsi>, %select_n3A_522, %reduce_min3A_523 [1] : vector<10x1000xi32> to vector<10xi32>
      %broadcast_in_dim3A_525 = vector.shape_cast %reduce_min3A_524 : vector<10xi32> to vector<10x1xi32>
      %eq3A_526 = vector.broadcast %broadcast_in_dim3A_525 : vector<10x1xi32> to vector<10x1000xi32>
      %eq3A_527 = arith.cmpi eq, %iota3A, %eq3A_526 : vector<10x1000xi32>
      %and3A_528 = vector.broadcast %ge3A_517 : vector<10x1xi1> to vector<10x1000xi1>
      %and3A_529 = arith.andi %eq3A_527, %and3A_528 : vector<10x1000xi1>
      %jit3A_530 = arith.constant 1.000000e+00 : f32
      %broadcast_in_dim3A_531 = vector.broadcast %jit3A_530 : f32 to vector<10x1000xf32>
      %select_n3A_532 = arith.select %and3A_529, %broadcast_in_dim3A_531, %select_n3A_472 : vector<10x1000xi1>, vector<10x1000xf32>
      %jit3A_533 = arith.constant 1.000000e+00 : f32
      %jit3A_534 = arith.constant 0.000000e+00 : f32
      %broadcast_in_dim3A_535 = vector.broadcast %jit3A_533 : f32 to vector<10x1xf32>
      %broadcast_in_dim3A_536 = vector.broadcast %jit3A_534 : f32 to vector<10x1xf32>
      %select_n3A_537 = arith.select %ge3A_517, %broadcast_in_dim3A_535, %broadcast_in_dim3A_536 : vector<10x1xi1>, vector<10x1xf32>
      %add3A_538 = arith.addf %add3A_478, %select_n3A_537 : vector<10x1xf32>
      %mul3A_539 = arith.constant 1000 : i32
      %mul3A_540 = arith.muli %arg0, %mul3A_539 : i32
      %mul3A_541 = arith.constant 8 : i32
      %mul3A_542 = arith.muli %scan3A_139, %mul3A_541 : i32
      %add3A_543 = arith.addi %mul3A_540, %mul3A_542 : i32
      %add3A_544 = arith.constant 6 : i32
      %add3A_545 = arith.addi %add3A_543, %add3A_544 : i32
      %add3A_546 = arith.constant 1 : i32
      %add3A_547 = arith.addi %add3A_545, %add3A_546 : i32
      %convert_element_type3A_548 = arith.sitofp %add3A_547 : i32 to f32
      %div3A_549 = arith.constant 1.000000e+00 : f32
      %div3A_550 = arith.divf %div3A_549, %convert_element_type3A_548 : f32
      %mul3A_551 = arith.constant 1.000000e-03 : f32
      %mul3A_552 = vector.broadcast %mul3A_551 : f32 to vector<10x1xf32>
      %mul3A_553 = arith.mulf %add3A_538, %mul3A_552 : vector<10x1xf32>
      %ge3A_554 = vector.broadcast %mul3A_553 : vector<10x1xf32> to vector<10x128xf32>
      %ge3A_555 = vector.broadcast %get3A_108 : vector<1x128xf32> to vector<10x128xf32>
      %ge3A_556 = arith.cmpf oge, %ge3A_554, %ge3A_555 : vector<10x128xf32>
      %mul3A_557 = vector.broadcast %div3A_550 : f32 to vector<10x1xf32>
      %mul3A_558 = arith.mulf %add3A_538, %mul3A_557 : vector<10x1xf32>
      %jit3A_559 = arith.constant 0.000000e+00 : f32
      %broadcast_in_dim3A_560 = vector.shape_cast %mul3A_558 : vector<10x1xf32> to vector<10x1xf32>
      %broadcast_in_dim3A_561 = vector.broadcast %broadcast_in_dim3A_560 : vector<10x1xf32> to vector<10x128xf32>
      %broadcast_in_dim3A_562 = vector.broadcast %jit3A_559 : f32 to vector<10x128xf32>
      %select_n3A_563 = arith.select %ge3A_556, %broadcast_in_dim3A_561, %broadcast_in_dim3A_562 : vector<10x128xi1>, vector<10x128xf32>
      %max3A_564 = arith.maximumf %max3A_504, %select_n3A_563 : vector<10x128xf32>
      %gt3A_565 = arith.constant 0.000000e+00 : f32
      %gt3A_566 = vector.broadcast %gt3A_565 : f32 to vector<10x1000xf32>
      %gt3A_567 = arith.cmpf ogt, %select_n3A_532, %gt3A_566 : vector<10x1000xf32>
      %slice3A_568 = vector.extract_strided_slice %get3A_147 {offsets = [7, 0], sizes = [1, 1000], strides = [1, 1]} : vector<8x1000xf32> to vector<1x1000xf32>
      %broadcast_in_dim3A_569 = vector.shape_cast %slice3A_568 : vector<1x1000xf32> to vector<1x1000xf32>
      %broadcast_in_dim3A_570 = vector.broadcast %broadcast_in_dim3A_569 : vector<1x1000xf32> to vector<10x1000xf32>
      %jit3A_571 = arith.constant -1.000000e+00 : f32
      %broadcast_in_dim3A_572 = vector.broadcast %jit3A_571 : f32 to vector<10x1000xf32>
      %select_n3A_573 = arith.select %gt3A_567, %broadcast_in_dim3A_572, %broadcast_in_dim3A_570 : vector<10x1000xi1>, vector<10x1000xf32>
      %reduce_max3A_574 = arith.constant dense<0xFF800000> : vector<10xf32>
      %reduce_max3A_575 = vector.multi_reduction <maximumf>, %select_n3A_573, %reduce_max3A_574 [1] : vector<10x1000xf32> to vector<10xf32>
      %broadcast_in_dim3A_576 = vector.shape_cast %reduce_max3A_575 : vector<10xf32> to vector<10x1xf32>
      %ge3A_577 = arith.cmpf oge, %broadcast_in_dim3A_576, %get3A_105 : vector<10x1xf32>
      %eq3A_578 = vector.broadcast %broadcast_in_dim3A_576 : vector<10x1xf32> to vector<10x1000xf32>
      %eq3A_579 = arith.cmpf oeq, %select_n3A_573, %eq3A_578 : vector<10x1000xf32>
      %jit3A_580 = arith.constant 1000 : i32
      %broadcast_in_dim3A_581 = vector.broadcast %jit3A_580 : i32 to vector<10x1000xi32>
      %select_n3A_582 = arith.select %eq3A_579, %iota3A, %broadcast_in_dim3A_581 : vector<10x1000xi1>, vector<10x1000xi32>
      %reduce_min3A_583 = arith.constant dense<2147483647> : vector<10xi32>
      %reduce_min3A_584 = vector.multi_reduction <minsi>, %select_n3A_582, %reduce_min3A_583 [1] : vector<10x1000xi32> to vector<10xi32>
      %broadcast_in_dim3A_585 = vector.shape_cast %reduce_min3A_584 : vector<10xi32> to vector<10x1xi32>
      %eq3A_586 = vector.broadcast %broadcast_in_dim3A_585 : vector<10x1xi32> to vector<10x1000xi32>
      %eq3A_587 = arith.cmpi eq, %iota3A, %eq3A_586 : vector<10x1000xi32>
      %and3A_588 = vector.broadcast %ge3A_577 : vector<10x1xi1> to vector<10x1000xi1>
      %and3A_589 = arith.andi %eq3A_587, %and3A_588 : vector<10x1000xi1>
      %jit3A_590 = arith.constant 1.000000e+00 : f32
      %broadcast_in_dim3A_591 = vector.broadcast %jit3A_590 : f32 to vector<10x1000xf32>
      %select_n3A_592 = arith.select %and3A_589, %broadcast_in_dim3A_591, %select_n3A_532 : vector<10x1000xi1>, vector<10x1000xf32>
      %jit3A_593 = arith.constant 1.000000e+00 : f32
      %jit3A_594 = arith.constant 0.000000e+00 : f32
      %broadcast_in_dim3A_595 = vector.broadcast %jit3A_593 : f32 to vector<10x1xf32>
      %broadcast_in_dim3A_596 = vector.broadcast %jit3A_594 : f32 to vector<10x1xf32>
      %select_n3A_597 = arith.select %ge3A_577, %broadcast_in_dim3A_595, %broadcast_in_dim3A_596 : vector<10x1xi1>, vector<10x1xf32>
      %add3A_598 = arith.addf %add3A_538, %select_n3A_597 : vector<10x1xf32>
      %mul3A_599 = arith.constant 1000 : i32
      %mul3A_600 = arith.muli %arg0, %mul3A_599 : i32
      %mul3A_601 = arith.constant 8 : i32
      %mul3A_602 = arith.muli %scan3A_139, %mul3A_601 : i32
      %add3A_603 = arith.addi %mul3A_600, %mul3A_602 : i32
      %add3A_604 = arith.constant 7 : i32
      %add3A_605 = arith.addi %add3A_603, %add3A_604 : i32
      %add3A_606 = arith.constant 1 : i32
      %add3A_607 = arith.addi %add3A_605, %add3A_606 : i32
      %convert_element_type3A_608 = arith.sitofp %add3A_607 : i32 to f32
      %div3A_609 = arith.constant 1.000000e+00 : f32
      %div3A_610 = arith.divf %div3A_609, %convert_element_type3A_608 : f32
      %mul3A_611 = arith.constant 1.000000e-03 : f32
      %mul3A_612 = vector.broadcast %mul3A_611 : f32 to vector<10x1xf32>
      %mul3A_613 = arith.mulf %add3A_598, %mul3A_612 : vector<10x1xf32>
      %ge3A_614 = vector.broadcast %mul3A_613 : vector<10x1xf32> to vector<10x128xf32>
      %ge3A_615 = vector.broadcast %get3A_108 : vector<1x128xf32> to vector<10x128xf32>
      %ge3A_616 = arith.cmpf oge, %ge3A_614, %ge3A_615 : vector<10x128xf32>
      %mul3A_617 = vector.broadcast %div3A_610 : f32 to vector<10x1xf32>
      %mul3A_618 = arith.mulf %add3A_598, %mul3A_617 : vector<10x1xf32>
      %jit3A_619 = arith.constant 0.000000e+00 : f32
      %broadcast_in_dim3A_620 = vector.shape_cast %mul3A_618 : vector<10x1xf32> to vector<10x1xf32>
      %broadcast_in_dim3A_621 = vector.broadcast %broadcast_in_dim3A_620 : vector<10x1xf32> to vector<10x128xf32>
      %broadcast_in_dim3A_622 = vector.broadcast %jit3A_619 : f32 to vector<10x128xf32>
      %select_n3A_623 = arith.select %ge3A_616, %broadcast_in_dim3A_621, %broadcast_in_dim3A_622 : vector<10x128xi1>, vector<10x128xf32>
      %max3A_624 = arith.maximumf %max3A_564, %select_n3A_623 : vector<10x128xf32>
      scf.yield %select_n3A_592, %add3A_598, %max3A_624 : vector<10x1000xf32>, vector<10x1xf32>, vector<10x128xf32>
    }
    %scan3A_122 = arith.constant 125 : i32
    %swap3A_123 = arith.constant 0 : index
    %swap3A_124 = arith.constant 0 : index
    %swap3A_125 = vector.load %arg7[%swap3A_123, %swap3A_124] : memref<10x1000xf32, #tpu.memory_space<vmem>>, vector<10x1000xf32>
    tpu.vector_store %arg7[%swap3A_123, %swap3A_124], %scan3A_121#0 {strides = array<i32>} : memref<10x1000xf32, #tpu.memory_space<vmem>>, vector<10x1000xf32>,
    %broadcast_in_dim3A_126 = vector.shape_cast %scan3A_121#1 : vector<10x1xf32> to vector<10x1xf32>
    %broadcast_in_dim3A_127 = vector.broadcast %broadcast_in_dim3A_126 : vector<10x1xf32> to vector<10x128xf32>
    %swap3A_128 = arith.constant 0 : index
    %swap3A_129 = arith.constant 0 : index
    %swap3A_130 = vector.load %arg8[%swap3A_128, %swap3A_129] : memref<10x128xf32, #tpu.memory_space<vmem>>, vector<10x128xf32>
    tpu.vector_store %arg8[%swap3A_128, %swap3A_129], %broadcast_in_dim3A_127 {strides = array<i32>} : memref<10x128xf32, #tpu.memory_space<vmem>>, vector<10x128xf32>,
    %swap3A_131 = arith.constant 0 : index
    %swap3A_132 = arith.constant 0 : index
    %swap3A_133 = vector.load %arg9[%swap3A_131, %swap3A_132] : memref<10x128xf32, #tpu.memory_space<vmem>>, vector<10x128xf32>
    tpu.vector_store %arg9[%swap3A_131, %swap3A_132], %scan3A_121#2 {strides = array<i32>} : memref<10x128xf32, #tpu.memory_space<vmem>>, vector<10x128xf32>,
    %eq3A_134 = arith.constant 4 : i32
    %eq3A_135 = arith.cmpi eq, %arg0, %eq3A_134 : i32
    %convert_element_type3A_136 = arith.extui %eq3A_135 : i1 to i32
    %cond3A_137 = arith.constant 0 : i32
    %cond3A_138 = arith.cmpi ne, %convert_element_type3A_136, %cond3A_137 : i32
    scf.if %cond3A_138 {
      %reduce_sum3A = arith.constant dense<0.000000e+00> : vector<10xf32>
      %reduce_sum3A_139 = vector.multi_reduction <add>, %scan3A_121#2, %reduce_sum3A [1] : vector<10x128xf32> to vector<10xf32>
      %broadcast_in_dim3A_140 = vector.shape_cast %reduce_sum3A_139 : vector<10xf32> to vector<10x1xf32>
      %mul3A_141 = arith.constant 9.900990e-03 : f32
      %mul3A_142 = vector.broadcast %mul3A_141 : f32 to vector<10x1xf32>
      %mul3A_143 = arith.mulf %broadcast_in_dim3A_140, %mul3A_142 : vector<10x1xf32>
      %reduce_sum3A_144 = vector.shape_cast %mul3A_143 : vector<10x1xf32> to vector<1x10x1xf32>
      %reduce_sum3A_145 = arith.constant dense<0.000000e+00> : vector<1xf32>
      %reduce_sum3A_146 = vector.multi_reduction <add>, %reduce_sum3A_144, %reduce_sum3A_145 [1, 2] : vector<1x10x1xf32> to vector<1xf32>
      %reduce_sum3A_147 = vector.shape_cast %reduce_sum3A_146 : vector<1xf32> to vector<1x1x1xf32>
      %reduce_sum3A_148 = vector.extract %reduce_sum3A_147[0, 0, 0] : f32 from vector<1x1x1xf32>
      %reshape3A = vector.broadcast %reduce_sum3A_148 : f32 to vector<1x1xf32>
      %mul3A_149 = arith.constant 1.000000e-01 : f32
      %mul3A_150 = vector.broadcast %mul3A_149 : f32 to vector<1x1xf32>
      %mul3A_151 = arith.mulf %reshape3A, %mul3A_150 : vector<1x1xf32>
      %swap3A_152 = arith.constant 0 : index
      %swap3A_153 = arith.constant 0 : index
      %swap3A_154 = vector.load %arg6[%swap3A_152, %swap3A_153] : memref<1x1xf32, #tpu.memory_space<vmem>>, vector<1x1xf32>
      tpu.vector_store %arg6[%swap3A_152, %swap3A_153], %mul3A_151 {strides = array<i32>} : memref<1x1xf32, #tpu.memory_space<vmem>>, vector<1x1xf32>,
    } else {
    }
    return
  }
  func.func @transform_0(%arg0: i32) -> (i32, i32) {
    %c0_i32 = arith.constant 0 : i32
    %c0_i32_0 = arith.constant 0 : i32
    return %arg0, %c0_i32 : i32, i32
  }
  func.func @transform_1(%arg0: i32) -> (i32, i32) {
    %c0_i32 = arith.constant 0 : i32
    %c0_i32_0 = arith.constant 0 : i32
    %c0_i32_1 = arith.constant 0 : i32
    return %c0_i32, %c0_i32_0 : i32, i32
  }
  func.func @transform_2(%arg0: i32) -> (i32, i32) {
    %c0_i32 = arith.constant 0 : i32
    %c0_i32_0 = arith.constant 0 : i32
    %c0_i32_1 = arith.constant 0 : i32
    return %c0_i32, %c0_i32_0 : i32, i32
  }
  func.func @transform_3(%arg0: i32) -> (i32, i32) {
    %c0_i32 = arith.constant 0 : i32
    %c0_i32_0 = arith.constant 0 : i32
    %c0_i32_1 = arith.constant 0 : i32
    return %c0_i32, %c0_i32_0 : i32, i32
  }
  func.func @transform_4(%arg0: i32) -> (i32, i32) {
    %c0_i32 = arith.constant 0 : i32
    %c0_i32_0 = arith.constant 0 : i32
    return %arg0, %c0_i32 : i32, i32
  }
  func.func @transform_5(%arg0: i32) -> (i32, i32) {
    %c0_i32 = arith.constant 0 : i32
    %c0_i32_0 = arith.constant 0 : i32
    %c0_i32_1 = arith.constant 0 : i32
    return %c0_i32, %c0_i32_0 : i32, i32
  }
}

</mosaic_0001>

<sc_bundles>
// kernel: kernel.4.cloned.1.call-start
scs
__scs_entry_jumppad:
0x0: {  	(pc) =	sbr.rel $0x88, $3  }
0x1: {  	(tag) =	ssettag $0x0;
	lr =	simm.s32 $0x1  }
0x2: {  	[smem:$0x3F9C] =	sst lr;
	_ =	strace $0xD0000000  }
0x3: {  	_ = 	snop  }
0x4: {  	_ = 	snop  }
0x5: {  	_ = 	snop  }
0x6: {  	_ = 	snop  }
0x7: {  	_ = 	snop  }
__scs_overlays_trampoline_lowered:
0x8: {  	[smem:$0x3FAB] =	sst s0  }
0x9: {  	[smem:$0x3FAC] =	sst s1  }
0xa: {  	[smem:$0x3FAD] =	sst s2  }
0xb: {  	[smem:$0x3FAE] =	sst s3  }
0xc: {  	[smem:$0x3FAF] =	sst s4  }
0xd: {  	[smem:$0x3FB0] =	sst s5  }
0xe: {  	[smem:$0x3FB1] =	sst s6  }
0xf: {  	[smem:$0x3FB2] =	sst s7  }
0x10: {  	[smem:$0x3FB3] =	sst s8  }
0x11: {  	[smem:$0x3FB4] =	sst s9;
	s0 =	simm.s32 @!p0 $0x0  }
0x12: {  	s1 =	sld [smem:$0x3F9A];
	s0 =	simm.s32 @p0 $0x1  }
0x13: {  	[smem:$0x3FB5] =	sst s0;
	s0 =	simm.s32 @!p1 $0x0  }
0x14: {  	s2 =	sld [smem:$0x3F99];
	s0 =	simm.s32 @p1 $0x1  }
0x15: {  	[smem:$0x3FB6] =	sst s0;
	s0 =	simm.s32 @!p2 $0x0  }
0x16: {  	s3 =	sld [smem:$0x3FDB];
	s0 =	simm.s32 @p2 $0x1  }
0x17: {  	s4 =	simm.s32 $0x1BF5;
	[smem:$0x3FB8] =	sst s0  }
0x18: {  	s0 =	sld [smem:$0x3F9B];
	_ =	swait.ge [sflag:s4], $0x0  }
0x19: {  	s7 =	sld [smem:$0x3F9C]  }
0x1a: {  	s8 =	sadd.s32 $0xFFFFE003, lr  }
0x1b: {  	s9 =	sadd.s32 $0xFFFFFEF7, lr;
	s5 =	simm.s32 $0xFFFFFFFF;
	p2 =	slt.u32 s8, $0xFFFFF086  }
0x1c: {  	p1 =	slt.u32 s9, $0xF7A;
	s5 =	simm.s32 @!p2 $0x0  }
0x1d: {  	s5 =	simm.s32 @p1 $0x1;
	p0 =	seq.s32 s7, s2  }
0x1e: {  	s7 =	smul.u32 @!p0 $0xF7A, s2;
	p2 =	seq.s32 @!p0 s5, $0x0  }
0x1f: {  	s9 =	smul.u32 $0xF7A, s1;
	s8 =	simm.s32 @!p0 $0x1BF5;
	p2 =	por !p2, p0  }
0x20: {  	[sflag:s8] =	ssyncset.s32 @!p0 $0xFFFFF086;
	s6 =	sadd.s32 @!p0 s3, s7;
	s7 =	simm.s32 @!p0 $0x108  }
0x21: {  	s3 =	sadd.s32 s3, s9;
	s6 =	sadd.s32 @!p0 $0x88, s6;
	s7 =	simm.s32 @p2 $0x1082  }
0x22: {  	[simem:s7], [sflag:s8] =	dma.local @!p0 [hbm:s6], $0xF7A  }
0x23: {  	s9 =	sor.u32 $0xD0000000, s2;
	s6 =	simm.s32 $0x108;
	_ =	swait.ge @!p0 [sflag:s8], $0x0  }
0x24: {  	s3 =	sadd.s32 $0x88, s3;
	s6 =	simm.s32 @!p1 $0x1082;
	[sflag:s4] =	ssyncset.s32 $0xFFFFF086  }
0x25: {  	[simem:s6], [sflag:s4] =	dma.local [hbm:s3], $0xF7A  }
0x26: {  	[smem:$0x3F9C] =	sst s1;
	(tag) =	ssettag s2;
	_ =	strace s9  }
0x27: {  	s1 =	sld [smem:$0x3FAC]  }
0x28: {  	s2 =	sld [smem:$0x3FAD]  }
0x29: {  	s4 =	sld [smem:$0x3FAF]  }
0x2a: {  	p0 =	seq.s32 s5, $0x0;
	s5 =	sld [smem:$0x3FB0]  }
0x2b: {  	s6 =	sld [smem:$0x3FB1]  }
0x2c: {  	s7 =	sld [smem:$0x3FB2]  }
0x2d: {  	s3 =	simm.s32 $0x108;
	s8 =	sld [smem:$0x3FB3]  }
0x2e: {  	s3 =	simm.s32 @!p0 $0x1082;
	s9 =	sld [smem:$0x3FB4]  }
0x2f: {  	lr =	sadd.s32 s0, s3;
	s0 =	sld [smem:$0x3FAB]  }
0x30: {  	s3 =	sld [smem:$0x3FAE]  }
0x31: {  	[smem:$0x3FB7] =	sst s10  }
0x32: {  	s10 =	sld [smem:$0x3FB5];
	_ =	sdelay $0x3  }
0x33: {  	p0 =	seq.s32 s10, $0x1;
	s10 =	sld [smem:$0x3FB7];
	_ =	sdelay $0x3  }
0x34: {  	[smem:$0x3FB7] =	sst s10  }
0x35: {  	s10 =	sld [smem:$0x3FB6];
	_ =	sdelay $0x3  }
0x36: {  	p1 =	seq.s32 s10, $0x1;
	s10 =	sld [smem:$0x3FB7];
	_ =	sdelay $0x3  }
0x37: {  	[smem:$0x3FB7] =	sst s10  }
0x38: {  	s10 =	sld [smem:$0x3FB8]  }
0x39: {  	_ = 	snop;
	(pc) =	sbr.ind lr, $3  }
0x3a: {  	_ = 	snop  }
0x3b: {  	_ = 	snop  }
0x3c: {  	p2 =	seq.s32 s10, $0x1;
	s10 =	sld [smem:$0x3FB7]  }
0x3d: {  	_ =	shalt  }
0x3e: {  	_ =	shalt  }
0x3f: {  	_ =	shalt  }
0x40: {  	_ =	shalt  }
0x41: {  	_ =	shalt  }
0x42: {  	_ =	shalt  }
0x43: {  	_ =	shalt  }
0x44: {  	_ =	shalt  }
0x45: {  	_ =	shalt  }
0x46: {  	_ =	shalt  }
0x47: {  	_ =	shalt  }
0x48: {  	_ =	shalt  }
0x49: {  	_ =	shalt  }
0x4a: {  	_ =	shalt  }
0x4b: {  	_ =	shalt  }
0x4c: {  	_ =	shalt  }
0x4d: {  	_ =	shalt  }
0x4e: {  	_ =	shalt  }
0x4f: {  	_ =	shalt  }
0x50: {  	_ =	shalt  }
0x51: {  	_ =	shalt  }
0x52: {  	_ =	shalt  }
0x53: {  	_ =	shalt  }
0x54: {  	_ =	shalt  }
0x55: {  	_ =	shalt  }
0x56: {  	_ =	shalt  }
0x57: {  	_ =	shalt  }
0x58: {  	_ =	shalt  }
0x59: {  	_ =	shalt  }
0x5a: {  	_ =	shalt  }
0x5b: {  	_ =	shalt  }
0x5c: {  	_ =	shalt  }
0x5d: {  	_ =	shalt  }
0x5e: {  	_ =	shalt  }
0x5f: {  	_ =	shalt  }
0x60: {  	_ =	shalt  }
0x61: {  	_ =	shalt  }
0x62: {  	_ =	shalt  }
0x63: {  	_ =	shalt  }
0x64: {  	_ =	shalt  }
0x65: {  	_ =	shalt  }
0x66: {  	_ =	shalt  }
0x67: {  	_ =	shalt  }
0x68: {  	_ =	shalt  }
0x69: {  	_ =	shalt  }
0x6a: {  	_ =	shalt  }
0x6b: {  	_ =	shalt  }
0x6c: {  	_ =	shalt  }
0x6d: {  	_ =	shalt  }
0x6e: {  	_ =	shalt  }
0x6f: {  	_ =	shalt  }
0x70: {  	_ =	shalt  }
0x71: {  	_ =	shalt  }
0x72: {  	_ =	shalt  }
0x73: {  	_ =	shalt  }
0x74: {  	_ =	shalt  }
0x75: {  	_ =	shalt  }
0x76: {  	_ =	shalt  }
0x77: {  	_ =	shalt  }
0x78: {  	_ =	shalt  }
0x79: {  	_ =	shalt  }
0x7a: {  	_ =	shalt  }
0x7b: {  	_ =	shalt  }
0x7c: {  	_ =	shalt  }
0x7d: {  	_ =	shalt  }
0x7e: {  	_ =	shalt  }
0x7f: {  	_ =	shalt  }
0x80: {  	_ =	shalt  }
0x81: {  	_ =	shalt  }
0x82: {  	_ =	shalt  }
0x83: {  	_ =	shalt  }
0x84: {  	_ =	shalt  }
0x85: {  	_ =	shalt  }
0x86: {  	_ =	shalt  }
0x87: {  	_ =	shalt  }
.Lfunc_end0:
.L_simem_size_0:
called_computation_lowered:
.L_overlay_start_0:
0x88: {  	s2 =	sld [smem:$0x3FD9]  }
0x89: {  	s3 =	sld [smem:$0x3FFE];
	_ =	sdelay $0x1  }
0x8a: {  	s1 =	srdreg.scid  }
0x8b: {  	s0 =	sand.u32 $0x1, s1  }
0x8c: {  	s14 =	sshll.u32 s0, $0xA;
	s2 =	sadd.s32 s3, s2  }
0x8d: {  	s2 =	sadd.s32 s2, s14  }
0x8e: {  	[smem:$0x3FC3] =	sst s2  }
0x8f: {  	_ = 	snop  }
0x90: {  	s2 =	sld [smem:$0x3FD0];
	_ =	sdelay $0x2  }
0x91: {  	s15 =	simm.s32 $0xA;
	s4 =	simm.s32 $0x10  }
0x92: {  	[smem:s4], [sflag:s15] =	dma.local [hbm:s2], $0x1  }
0x93: {  	_ =	swait.eq [sflag:s15], $0x1  }
0x94: {  	[sflag:s15] =	ssyncset.done $0x0  }
0x95: {  	[sflag:s15] =	ssyncadd.s32 $0xFFFFFFFF  }
0x96: {  	s16 =	sld [smem:$0x11];
	(tm) =	ssettm $0x1  }
0x97: {  	s17 =	sld [smem:$0x3FFB];
	_ =	sdelay $0x3  }
0x98: {  	_ =	strace s17  }
0x99: {  	s3 =	sld [smem:$0x3FFC];
	_ =	sdelay $0x3  }
0x9a: {  	_ =	strace s3  }
0x9b: {  	s3 =	sld [smem:$0x3FFD];
	_ =	sdelay $0x3  }
0x9c: {  	_ =	strace s3  }
0x9d: {  	_ =	strace $0x8FFFFFFF  }
0x9e: {  	s18 =	sld [smem:$0x3FDB];
	_ =	sdelay $0x1  }
0x9f: {  	s19 =	simm.s32 $_scs_section_size  }
0xa0: {  	s5 =	simm.s32 $_size__tile_overlayer_lowered;
	s6 =	simm.s32 $_tile_overlayer_lowered  }
0xa1: {  	s22 =	simm.s32 $0x1BFF;
	s21 =	sshll.u32 s6, $0x1;
	s3 =	sadd.s32 s19, s18  }
0xa2: {  	s7 =	simm.s32 $0x0;
	s20 =	sshll.u32 s5, $0x1;
	s5 =	sadd.s32 s21, s3  }
0xa3: {  	[timem:s7], [sflag:s22] =	dma.local [hbm:s5], s20  }
0xa4: {  	_ =	swait.ge [sflag:s22], s20  }
0xa5: {  	s4 =	ssub.s32 $0x0, s20;
	[sflag:s22] =	ssyncset.done $0x0  }
0xa6: {  	[sflag:s22] =	ssyncadd.s32 s4;
	_ =	sdelay $0x1  }
0xa7: {  	s23 =	simm.s32 $0x1B8B  }
0xa8: {  	_ =	swait.ge [sflag:s23], $0x1  }
0xa9: {  	[sflag:s23] =	ssyncset.done $0x0  }
0xaa: {  	s25 =	simm.s32 $0x1B8E;
	s24 =	sld [smem:$0x3FFE];
	[sflag:s23] =	ssyncadd.s32 $0xFFFFFFFF  }
0xab: {  	s26 =	simm.s32 $execute0_lowered;
	[smem:$0x3FD2] =	sst s25  }
0xac: {  	s5 =	sshll.u32 s26, $0x1;
	_ =	strace $0x80000046;
	[dreg:$0x1] =	wrdreg $0xFFFFFFFF  }
0xad: {  	s28 =	simm.s32 $_size_execute0_lowered;
	s3 =	sadd.s32 s3, s5;
	[dreg:$0x0] =	wrdreg $0x0  }
0xae: {  	s5 =	sshll.u32 s28, $0x1;
	[dreg:$0x2] =	wrdreg s3  }
0xaf: {  	[dreg:$0x3] =	wrdreg s5  }
0xb0: {  	[dreg:$0x4] =	wrdreg $0xC0  }
0xb1: {  	_ =	task [dreg:s7], $0x5FFFF  }
0xb2: {  	[dreg:$0x1] =	wrdreg $0xFFFFFFFF  }
0xb3: {  	[dreg:$0x0] =	wrdreg $0x60  }
0xb4: {  	[dreg:$0x2] =	wrdreg s24  }
0xb5: {  	[dreg:$0x3] =	wrdreg s16  }
0xb6: {  	[dreg:$0x4] =	wrdreg $0x9  }
0xb7: {  	_ =	task.clear_ibuf [dreg:s7], $0x5FFFF;
	_ =	strace $0x90000046  }
0xb8: {  	s29 =	simm.s32 $0x9;
	_ =	strace $0x80000048  }
0xb9: {  	_ =	swait.ge [sflag:s29], $0x1  }
0xba: {  	[sflag:s29] =	ssyncadd.s32 $0xFFFFFFFF  }
0xbb: {  	_ =	strace $0x90000048  }
0xbc: {  	_ =	sfence  }
0xbd: {  	s30 =	sld [smem:$0x0];
	_ =	sdelay $0x2  }
0xbe: {  	s31 =	sshll.u32 s1, $0xD;
	s1 =	sshrl.u32 s1, $0x2  }
0xbf: {  	s3 =	sand.u32 $0x4000, s31;
	s1 =	sadd.s32 s1, s30  }
0xc0: {  	s0 =	sor.u32 s3, s0;
	s1 =	sshll.u32 s1, $0x11  }
0xc1: {  	s0 =	sor.u32 s1, s0  }
0xc2: {  	s0 =	sadd.s32 $0x8F2B, s0  }
0xc3: {  	[sflag:s0] =	ssyncadd.remote.s32 $0x1  }
0xc4: {  	_ =	sfence.sel $0xFFFF  }
0xc5: {  	[dreg:$0x0] =	wrdreg $0xFFFFFFFF;
	(pc) =	sbr.abs _section_cstart, $3  }
0xc6: {  	[dreg:$0x1] =	wrdreg $0xFFFFFFFF  }
0xc7: {  	_ =	task.clear_ibuf [dreg:s7], $0x2FFFF;
	_ =	strace $0x9FFFFFFF  }
0xc8: {  	(tm) =	ssettm $0x7FFFFFFF  }
0xc9: {  	_ =	shalt  }
tec
execute0_lowered:
.L_overlay_start_1:
0x0: {  	(tag) =	ssettag $0x1  }
0x1: {  	s1 =	srdreg.scid;
	s0 =	stileid.u32  }
0x2: {  	s5 =	rddreg [dreg:$0x0];
	s6 =	sand.u32 $0x1, s1;
	s30 =	sshll.u32 s0, $0x1  }
0x3: {  	s9 =	rddreg [dreg:$0x1];
	s2 =	simm.s32 $0x0;
	s10 =	sor.u32 s6, s30  }
0x4: {  	[smem:$0x7FF] =	sst s2;
	s3 =	smul.u32 $0x14, s10  }
0x5: {  	s7 =	simm.s32 $0x100;
	s1 =	rddreg [dreg:$0x2];
	_ =	strace $0x80000047  }
0x6: {  	s11 =	ssub.s32 $0x2, s6;
	s4 =	sadd.s32 s5, s3;
	s3 =	simm.s32 $0x2  }
0x7: {  	[tilespmem:s2], [sflag:$0x2] =	stream.linear.gather [hbm4b:s4+s2], $0xA0, $0x38;
	[tilespmem:$0x5100] =	vst v63  }
0x8: {  	s8 =	simm.s32 $0x1;
	s12 =	sshrl.u32 s11, $0x1;
	_ =	swait.ge [sflag:s3], $0xA0  }
0x9: {  	s6 =	simm.s32 $0xA0;
	s11 =	ssub.s32 s11, s12;
	[sflag:s3] =	ssyncset.done $0x0  }
0xa: {  	s5 =	sadd.s32 $0x400, s5;
	s31 =	smax.u32 s11, $0x1;
	[sflag:s3] =	ssyncadd.s32 $0xFFFFFF60  }
0xb: {  	[tilespmem:s7], [sflag:$0x1] =	stream.indirect.gather [hbm4b:s5+s6], $0x80, s2, s6, $0xb8;
	[tilespmem:$0x5100] =	vst v63  }
0xc: {  	s10 =	smul.u32 $0xA00, s10;
	p0 =	sne.s32 s31, $0x1;
	_ =	swait.ge [sflag:s8], $0x5000  }
.Ltmp0:
0xd: {  	[sflag:s8] =	ssyncset.done $0x0;
	(pc) =	sbr.rel @!p0 .LBB2_2-.Ltmp0, $4  }
0xe: {  	s9 =	sadd.s32 s9, s10;
	[sflag:s8] =	ssyncadd.s32 $0xFFFFB000  }
0xf: {  	[hbm4b:s9+s2] =	stream.linear.scatter [tilespmem:s7], [sflag:$0x2], $0x5000, $0x38;
	[tilespmem:$0x5100] =	vst v63  }
0x10: {  	_ =	swait.ge [sflag:s3], $0x5000  }
0x11: {  	s10 =	sadd.s32 $0xFFFFFFFF, s31;
	[sflag:s3] =	ssyncset.done $0x0  }
.LBB2_1:
0x12: {  	p0 =	sne.s32 s10, $0x1;
	s10 =	sadd.s32 $0xFFFFFFFF, s10;
	[sflag:s3] =	ssyncadd.s32 $0xFFFFB000  }
0x13: {  	[tilespmem:s2], [sflag:$0x2] =	stream.linear.gather [hbm4b:s4+s2], $0xA0, $0x38;
	[tilespmem:$0x5100] =	vst v63  }
0x14: {  	_ =	swait.ge [sflag:s3], $0xA0  }
0x15: {  	[sflag:s3] =	ssyncset.done $0x0  }
0x16: {  	[sflag:s3] =	ssyncadd.s32 $0xFFFFFF60  }
0x17: {  	[tilespmem:s7], [sflag:$0x1] =	stream.indirect.gather [hbm4b:s5+s6], $0x80, s2, s6, $0xb8;
	[tilespmem:$0x5100] =	vst v63  }
0x18: {  	_ =	swait.ge [sflag:s8], $0x5000  }
.Ltmp1:
0x19: {  	[sflag:s8] =	ssyncset.done $0x0;
	(pc) =	sbr.rel @p0 .LBB2_1-.Ltmp1, $4  }
0x1a: {  	[sflag:s8] =	ssyncadd.s32 $0xFFFFB000  }
0x1b: {  	[hbm4b:s9+s2] =	stream.linear.scatter [tilespmem:s7], [sflag:$0x2], $0x5000, $0x38;
	[tilespmem:$0x5100] =	vst v63  }
0x1c: {  	_ =	swait.ge [sflag:s3], $0x5000  }
0x1d: {  	[sflag:s3] =	ssyncset.done $0x0  }
.LBB2_2:
0x1e: {  	[sflag:s3] =	ssyncadd.s32 $0xFFFFB000  }
0x1f: {  	_ =	sfence.sel $0x180000  }
0x20: {  	[bflag:$0x0] =	sbarrier.arrive $0xFFFF  }
0x21: {  	p0 =	sne.s32 s0, $0x0;
	_ =	strace $0x90000047  }
0x22: {  	s0 =	sadd.s32 @!p0 $0x100000, s1;
	[bflag:$0x2] =	sbarrier.arrive $0xFFFF  }
0x23: {  	[sflag:s0] =	ssyncadd.tile.s32 @!p0 $0x1;
	_ =	shalt  }
.Lfunc_end2:
_tile_overlayer_lowered:
.L_overlay_start_2:
0x24: {  	(tag) =	ssettag $0x2  }
0x25: {  	s0 =	rddreg [dreg:$0x0];
	s2 =	stileid.u32  }
0x26: {  	s1 =	rddreg [dreg:$0x1];
	p0 =	sne.s32 s2, $0x0  }
0x27: {  	s3 =	rddreg [dreg:$0x2];
	[bflag:$0x3] =	sbarrier.arrive $0xFFFF;
	s2 =	simm.s32 @!p0 $0x1C02  }
0x28: {  	[timem:s3], [sflag:s2] =	dma.local @!p0 [hbm:s0], s1  }
0x29: {  	s0 =	simm.s32 @!p0 $0x2  }
0x2a: {  	_ =	swait.ge @!p0 [sflag:s0], s1  }
0x2b: {  	s1 =	ssub.s32 @!p0 $0x0, s1;
	[sflag:s0] =	ssyncset.done @!p0 $0x0  }
0x2c: {  	[sflag:s0] =	ssyncadd.s32 @!p0 s1  }
0x2d: {  	[bflag:$0x3] =	sbarrier.arrive $0xFFFF  }
0x2e: {  	_ =	shalt  }

</sc_bundles>
